<compile_context>
chip_gen: v7x
topology: tpu7x:2x2x1
jax: 0.10.2.dev20260603
libtpu: 0.0.44.dev20260713+nightly
codegen_flags: <defaults>
</compile_context>

<pallas_src>
import functools

import jax
import jax.numpy as jnp
from jax import lax
from jax.experimental import pallas as pl
from jax.experimental.pallas import tpu as pltpu
from jax.experimental.pallas import tpu_sc as plsc

N = 10000
NP = 10240
E = 320000
EP = 327680
D = 128
NC = 2
NS = 16
ER = EP // D
RT1 = ER // NC // NS
EC = 64
ER3 = EP // EC
RT3 = ER3 // NC // NS
SL = NP // NS

NBUF = 3
NGIF = 2
NSIF = 1

_MESH = plsc.VectorSubcoreMesh(core_axis_name="c", subcore_axis_name="s")


def _fill_1d(ref, n16, value):
    def body(k, _):
        ref[pl.ds(k * 16, 16)] = jnp.full((16,), value, jnp.float32)
        return 0
    lax.fori_loop(0, n16, body, 0)


def _deg_body(src_hbm, dst_hbm, degp_hbm, src_v, dst_v, ones_v, zero_v,
              dsrc_s, ddst_s):
    c = lax.axis_index("c")
    s = lax.axis_index("s")
    _fill_1d(ones_v, 8, 1.0)
    _fill_1d(zero_v, SL // 16, 0.0)
    pltpu.sync_copy(zero_v, dsrc_s.at[pl.ds(s * SL, SL)])
    pltpu.sync_copy(zero_v, ddst_s.at[pl.ds(s * SL, SL)])
    plsc.subcore_barrier()
    base = (c * NS + s) * RT1
    pltpu.sync_copy(src_hbm.at[pl.ds(base, RT1)], src_v)
    pltpu.sync_copy(dst_hbm.at[pl.ds(base, RT1)], dst_v)

    def step(j, _):
        pltpu.sync_copy(ones_v, dsrc_s.at[src_v.at[j]], add=True)
        pltpu.sync_copy(ones_v, ddst_s.at[dst_v.at[j]], add=True)
        return 0
    lax.fori_loop(0, RT1, step, 0)
    plsc.subcore_barrier()
    pltpu.sync_copy(dsrc_s.at[pl.ds(s * SL, SL)],
                    degp_hbm.at[c, 0, pl.ds(s * SL, SL)])
    pltpu.sync_copy(ddst_s.at[pl.ds(s * SL, SL)],
                    degp_hbm.at[c, 1, pl.ds(s * SL, SL)])


_deg_kernel = functools.partial(
    pl.kernel,
    out_type=jax.ShapeDtypeStruct((NC, 2, NP), jnp.float32),
    mesh=_MESH,
    scratch_types=[
        pltpu.VMEM((RT1, D), jnp.int32),
        pltpu.VMEM((RT1, D), jnp.int32),
        pltpu.VMEM((D,), jnp.float32),
        pltpu.VMEM((SL,), jnp.float32),
        pltpu.VMEM_SHARED((NP,), jnp.float32),
        pltpu.VMEM_SHARED((NP,), jnp.float32),
    ],
)(_deg_body)


def _gs_body(h_hbm, src_hbm, dst_hbm, aggp_hbm, src_v, dst_v, rows_v,
             agg_s, gsem, ssem):
    c = lax.axis_index("c")
    s = lax.axis_index("s")

    def fz_rows(t, _):
        rows_v[0, t // 8, pl.ds((t % 8) * 16, 16)] = jnp.zeros(
            (16,), jnp.float32)
        return 0
    lax.fori_loop(0, EC * 8, fz_rows, 0)

    def fz_agg(k, _):
        pltpu.sync_copy(rows_v.at[0], agg_s.at[pl.ds(s * SL + k * EC, EC)])
        return 0
    lax.fori_loop(0, SL // EC, fz_agg, 0)
    plsc.subcore_barrier()

    base = (c * NS + s) * RT3
    pltpu.sync_copy(src_hbm.at[pl.ds(base, RT3)], src_v)
    pltpu.sync_copy(dst_hbm.at[pl.ds(base, RT3)], dst_v)

    for k in range(NGIF):
        pltpu.async_copy(h_hbm.at[src_v.at[k]], rows_v.at[k], gsem.at[k])

    def step(j, _):
        b = lax.rem(j, NBUF)
        pltpu.make_async_copy(h_hbm.at[src_v.at[j]], rows_v.at[b],
                              gsem.at[lax.rem(j, NGIF)]).wait()

        @pl.when(j >= NSIF)
        def _():
            jo = j - NSIF
            pltpu.make_async_copy(rows_v.at[lax.rem(jo, NBUF)],
                                  agg_s.at[dst_v.at[jo]],
                                  ssem.at[lax.rem(jo, NSIF)]).wait()

        pltpu.async_copy(rows_v.at[b], agg_s.at[dst_v.at[j]],
                         ssem.at[lax.rem(j, NSIF)], add=True)

        @pl.when(j + NGIF < RT3)
        def _():
            jn = j + NGIF
            pltpu.async_copy(h_hbm.at[src_v.at[jn]],
                             rows_v.at[lax.rem(jn, NBUF)],
                             gsem.at[lax.rem(jn, NGIF)])
        return 0
    lax.fori_loop(0, RT3, step, 0)
    for jj in range(RT3 - NSIF, RT3):
        pltpu.make_async_copy(rows_v.at[jj % NBUF], agg_s.at[dst_v.at[jj]],
                              ssem.at[jj % NSIF]).wait()
    plsc.subcore_barrier()
    pltpu.sync_copy(agg_s.at[pl.ds(s * SL, SL)],
                    aggp_hbm.at[c, pl.ds(s * SL, SL)])


_gs_kernel = functools.partial(
    pl.kernel,
    out_type=jax.ShapeDtypeStruct((NC, NP, D), jnp.float32),
    mesh=_MESH,
    scratch_types=[
        pltpu.VMEM((RT3, EC), jnp.int32),
        pltpu.VMEM((RT3, EC), jnp.int32),
        pltpu.VMEM((NBUF, EC, D), jnp.float32),
        pltpu.VMEM_SHARED((NP, D), jnp.float32),
        pltpu.SemaphoreType.DMA((NGIF,)),
        pltpu.SemaphoreType.DMA((NSIF,)),
    ],
    compiler_params=pltpu.CompilerParams(use_tc_tiling_on_sc=False),
)(_gs_body)


def _h_body(x_ref, dsp_ref, h_ref):
    deg = dsp_ref[:, 0:1] + dsp_ref[:, 1:2]
    ns = jnp.where(deg > 0, lax.rsqrt(deg), 1.0)
    h = x_ref[...] * ns
    h_ref[0] = h
    h_ref[1] = h


def _finish_body(aggp_ref, ddp_ref, w_ref, b_ref, out_ref):
    agg = aggp_ref[0] + aggp_ref[1]
    deg = ddp_ref[:, 0:1] + ddp_ref[:, 1:2]
    nd = jnp.where(deg > 0, lax.rsqrt(deg), 1.0)
    agg = agg * nd
    out_ref[...] = (
        jnp.dot(agg, w_ref[...], preferred_element_type=jnp.float32)
        + b_ref[...]
    )


def kernel(x, edge_index, W, b):
    src = edge_index[0]
    dst = edge_index[1]
    pad = jnp.full((EP - E,), NP - 1, dtype=jnp.int32)
    srcf = jnp.concatenate([src, pad])
    dstf = jnp.concatenate([dst, pad])
    src2 = srcf.reshape(ER, D)
    dst2 = dstf.reshape(ER, D)
    src3 = jnp.concatenate(
        [srcf[:EP // 2], srcf[EP // 2:] + NP]).reshape(ER3, EC)
    dst3 = dstf.reshape(ER3, EC)
    x_pad = jnp.pad(x, ((0, NP - N), (0, 0)))

    degp = _deg_kernel(src2, dst2)
    dsp = degp[:, 0, :].T
    ddp = degp[:, 1, :].T

    h = pl.pallas_call(
        _h_body,
        grid=(NP // 256,),
        in_specs=[
            pl.BlockSpec((256, D), lambda i: (i, 0)),
            pl.BlockSpec((256, 2), lambda i: (i, 0)),
        ],
        out_specs=pl.BlockSpec((2, 256, D), lambda i: (0, i, 0)),
        out_shape=jax.ShapeDtypeStruct((2, NP, D), jnp.float32),
    )(x_pad, dsp)
    h = h.reshape(2 * NP, D)

    aggp = _gs_kernel(h, src3, dst3)

    out = pl.pallas_call(
        _finish_body,
        grid=(N // 400,),
        in_specs=[
            pl.BlockSpec((NC, 400, D), lambda i: (0, i, 0)),
            pl.BlockSpec((400, 2), lambda i: (i, 0)),
            pl.BlockSpec((D, D), lambda i: (0, 0)),
            pl.BlockSpec((1, D), lambda i: (0, 0)),
        ],
        out_specs=pl.BlockSpec((400, D), lambda i: (i, 0)),
        out_shape=jax.ShapeDtypeStruct((N, D), jnp.float32),
    )(aggp, ddp, W, b.reshape(1, D))
    return out

# --- scband reference (transcript-rebuilt; emitter-appended) ---
"""Pipeline reference for scband-graph-layers-8624294330605 (READ-ONLY COPY).

The authoritative reference and input builder live on the scoring server;
editing this copy changes nothing except your own understanding.
"""

import jax, jax.numpy as jnp
import numpy as np

N_NODES = 10000
N_EDGES = 320000
D_IN = 128
D_OUT = 128


def setup_inputs(seed: int = 0) -> dict:
    key = jax.random.key(seed)
    k1, k2, k3 = jax.random.split(key, 3)
    x = jax.random.normal(k1, (N_NODES, D_IN), dtype=jnp.float32)
    edge_index = jax.random.randint(k2, (2, N_EDGES), 0, N_NODES, dtype=jnp.int32)
    # xavier_uniform with gain=calculate_gain('relu')=sqrt(2)
    gain = float(np.sqrt(2.0))
    bound = gain * float(np.sqrt(6.0 / (D_IN + D_OUT)))
    W = jax.random.uniform(k3, (D_IN, D_OUT), minval=-bound, maxval=bound, dtype=jnp.float32)
    b = jnp.zeros((D_OUT,), dtype=jnp.float32)
    return {"x": x, "edge_index": edge_index, "W": W, "b": b}


def reference(x, edge_index, W, b):
    # DGL GraphConv with norm='both' (symmetric normalization), aggregate-then-project
    # (in_feats == out_feats so DGL aggregates first, then applies the weight).
    src = edge_index[0]
    dst = edge_index[1]
    ones = jnp.ones((src.shape[0],), dtype=x.dtype)
    deg_out = jax.ops.segment_sum(ones, src, num_segments=N_NODES)
    deg_in = jax.ops.segment_sum(ones, dst, num_segments=N_NODES)
    norm_src = jnp.where(deg_out > 0, deg_out, 1.0) ** -0.5
    norm_dst = jnp.where(deg_in > 0, deg_in, 1.0) ** -0.5
    h = x * norm_src[:, None]
    msg = jnp.take(h, src, axis=0)
    agg = jax.ops.segment_sum(msg, dst, num_segments=N_NODES)
    agg = agg * norm_dst[:, None]
    out = agg @ W + b
    return out

if __name__ == "__main__":
    import jax
    _d = setup_inputs()
    print(jax.jit(kernel)(*tuple(_d.values())))

</pallas_src>

<mosaic_0001>
#map = affine_map<(d0, d1) -> (0, 0)>
#map1 = affine_map<(d0, d1) -> (0, 0, 0)>
module attributes {stable_mosaic.version = 14 : i64} {
  func.func @_deg_body(%arg0: i32, %arg1: i32, %arg2: memref<2560x128xi32, #tpu.memory_space<hbm>>, %arg3: memref<2560x128xi32, #tpu.memory_space<hbm>>, %arg4: memref<2x2x10240xf32, #tpu.memory_space<hbm>>, %arg5: memref<80x128xi32, #tpu.memory_space<vmem>>, %arg6: memref<80x128xi32, #tpu.memory_space<vmem>>, %arg7: memref<128xf32, #tpu.memory_space<vmem>>, %arg8: memref<640xf32, #tpu.memory_space<vmem>>, %arg9: memref<10240xf32, #tpu.memory_space<vmem_shared>>, %arg10: memref<10240xf32, #tpu.memory_space<vmem_shared>>) attributes {dimension_semantics = [#tpu.dimension_semantics<core_parallel>, #tpu.dimension_semantics<subcore_parallel>], iteration_bounds = array<i64: 2, 16>, scalar_prefetch = 0 : i64, scratch_operands = 6 : i64, tpu.core_type = #tpu.core_type<sc_vector_subcore>, window_params = [{transform_indices = #map}, {transform_indices = #map}, {transform_indices = #map1}]} {
    %scan3A = arith.constant 0 : i32
    %scan3A_0 = arith.constant 0 : i32
    %scan3A_1 = arith.constant 8 : i32
    %scan3A_2 = arith.addi %scan3A_0, %scan3A_1 : i32
    %scan3A_3 = arith.constant 1 : i32
    %scan3A_4 = scf.for %scan3A_37 = %scan3A_0 to %scan3A_2 step %scan3A_3 iter_args(%scan3A_38 = %scan3A) -> (i32)  : i32 {
      %broadcast_in_dim3A = arith.constant 1.000000e+00 : f32
      %broadcast_in_dim3A_39 = vector.broadcast %broadcast_in_dim3A : f32 to vector<16xf32>
      %mul3A_40 = arith.constant 16 : i32
      %mul3A_41 = arith.muli %scan3A_37, %mul3A_40 : i32
      %swap3A = arith.index_cast %mul3A_41 : i32 to index
      %swap3A_42 = tpu.vector_load %arg7[%swap3A] {strides = array<i32>} : memref<128xf32, #tpu.memory_space<vmem>>, vector<16xf32>,
      %swap3A_43 = vector.shape_cast %swap3A_42 : vector<16xf32> to vector<16xf32>
      %swap3A_44 = vector.shape_cast %broadcast_in_dim3A_39 : vector<16xf32> to vector<16xf32>
      tpu.vector_store %arg7[%swap3A], %swap3A_44 {strides = array<i32>} : memref<128xf32, #tpu.memory_space<vmem>>, vector<16xf32>,
      %scan3A_45 = arith.constant 0 : i32
      scf.yield %scan3A_45 : i32
    }
    %scan3A_5 = arith.constant 8 : i32
    %scan3A_6 = arith.constant 0 : i32
    %scan3A_7 = arith.constant 0 : i32
    %scan3A_8 = arith.constant 40 : i32
    %scan3A_9 = arith.addi %scan3A_7, %scan3A_8 : i32
    %scan3A_10 = arith.constant 1 : i32
    %scan3A_11 = scf.for %scan3A_37 = %scan3A_7 to %scan3A_9 step %scan3A_10 iter_args(%scan3A_38 = %scan3A_6) -> (i32)  : i32 {
      %broadcast_in_dim3A = arith.constant 0.000000e+00 : f32
      %broadcast_in_dim3A_39 = vector.broadcast %broadcast_in_dim3A : f32 to vector<16xf32>
      %mul3A_40 = arith.constant 16 : i32
      %mul3A_41 = arith.muli %scan3A_37, %mul3A_40 : i32
      %swap3A = arith.index_cast %mul3A_41 : i32 to index
      %swap3A_42 = tpu.vector_load %arg8[%swap3A] {strides = array<i32>} : memref<640xf32, #tpu.memory_space<vmem>>, vector<16xf32>,
      %swap3A_43 = vector.shape_cast %swap3A_42 : vector<16xf32> to vector<16xf32>
      %swap3A_44 = vector.shape_cast %broadcast_in_dim3A_39 : vector<16xf32> to vector<16xf32>
      tpu.vector_store %arg8[%swap3A], %swap3A_44 {strides = array<i32>} : memref<640xf32, #tpu.memory_space<vmem>>, vector<16xf32>,
      %scan3A_45 = arith.constant 0 : i32
      scf.yield %scan3A_45 : i32
    }
    %scan3A_12 = arith.constant 40 : i32
    %mul3A = arith.constant 640 : i32
    %mul3A_13 = arith.muli %arg1, %mul3A : i32
    "tpu.region"() ({
      %run_scoped3A_37 = tpu.sem_alloc : memref<!tpu.dma_semaphore, #tpu.memory_space<semaphore_mem>>
      %dma_start3A = tpu.memref_slice %arg9[%mul3A_13] : memref<10240xf32, #tpu.memory_space<vmem_shared>> -> memref<640xf32, #tpu.memory_space<vmem_shared>>
      %dma_start3A_38 = tpu.memref_slice %arg9[%mul3A_13] : memref<10240xf32, #tpu.memory_space<vmem_shared>> -> memref<640xf32, #tpu.memory_space<vmem_shared>>
      tpu.enqueue_dma source(%arg8 : memref<640xf32, #tpu.memory_space<vmem>>) target(%dma_start3A_38 : memref<640xf32, #tpu.memory_space<vmem_shared>>) target_semaphore(%run_scoped3A_37 : memref<!tpu.dma_semaphore, #tpu.memory_space<semaphore_mem>>)
      %dma_wait3A = tpu.memref_slice %arg9[%mul3A_13] : memref<10240xf32, #tpu.memory_space<vmem_shared>> -> memref<640xf32, #tpu.memory_space<vmem_shared>>
      %dma_wait3A_39 = tpu.memref_slice %arg9[%mul3A_13] : memref<10240xf32, #tpu.memory_space<vmem_shared>> -> memref<640xf32, #tpu.memory_space<vmem_shared>>
      tpu.wait_dma2 semaphore(%run_scoped3A_37 : memref<!tpu.dma_semaphore, #tpu.memory_space<semaphore_mem>>) src(%arg8 : memref<640xf32, #tpu.memory_space<vmem>>) dst(%dma_wait3A_39 : memref<640xf32, #tpu.memory_space<vmem_shared>>)
      tpu.yield
    }) : () -> ()
    %mul3A_14 = arith.constant 640 : i32
    %mul3A_15 = arith.muli %arg1, %mul3A_14 : i32
    "tpu.region"() ({
      %run_scoped3A_37 = tpu.sem_alloc : memref<!tpu.dma_semaphore, #tpu.memory_space<semaphore_mem>>
      %dma_start3A = tpu.memref_slice %arg10[%mul3A_15] : memref<10240xf32, #tpu.memory_space<vmem_shared>> -> memref<640xf32, #tpu.memory_space<vmem_shared>>
      %dma_start3A_38 = tpu.memref_slice %arg10[%mul3A_15] : memref<10240xf32, #tpu.memory_space<vmem_shared>> -> memref<640xf32, #tpu.memory_space<vmem_shared>>
      tpu.enqueue_dma source(%arg8 : memref<640xf32, #tpu.memory_space<vmem>>) target(%dma_start3A_38 : memref<640xf32, #tpu.memory_space<vmem_shared>>) target_semaphore(%run_scoped3A_37 : memref<!tpu.dma_semaphore, #tpu.memory_space<semaphore_mem>>)
      %dma_wait3A = tpu.memref_slice %arg10[%mul3A_15] : memref<10240xf32, #tpu.memory_space<vmem_shared>> -> memref<640xf32, #tpu.memory_space<vmem_shared>>
      %dma_wait3A_39 = tpu.memref_slice %arg10[%mul3A_15] : memref<10240xf32, #tpu.memory_space<vmem_shared>> -> memref<640xf32, #tpu.memory_space<vmem_shared>>
      tpu.wait_dma2 semaphore(%run_scoped3A_37 : memref<!tpu.dma_semaphore, #tpu.memory_space<semaphore_mem>>) src(%arg8 : memref<640xf32, #tpu.memory_space<vmem>>) dst(%dma_wait3A_39 : memref<640xf32, #tpu.memory_space<vmem_shared>>)
      tpu.yield
    }) : () -> ()
    %barrier3A = arith.constant 0 : index
    tpu.barrier barrier_id(%barrier3A)
    %mul3A_16 = arith.constant 16 : i32
    %mul3A_17 = arith.muli %arg0, %mul3A_16 : i32
    %add3A = arith.addi %mul3A_17, %arg1 : i32
    %mul3A_18 = arith.constant 80 : i32
    %mul3A_19 = arith.muli %add3A, %mul3A_18 : i32
    "tpu.region"() ({
      %run_scoped3A_37 = tpu.sem_alloc : memref<!tpu.dma_semaphore, #tpu.memory_space<semaphore_mem>>
      %dma_start3A = arith.constant 0 : i32
      %dma_start3A_38 = tpu.memref_slice %arg2[%mul3A_19, %dma_start3A] : memref<2560x128xi32, #tpu.memory_space<hbm>> -> memref<80x128xi32, #tpu.memory_space<hbm>>
      %dma_start3A_39 = arith.constant 0 : i32
      %dma_start3A_40 = tpu.memref_slice %arg2[%mul3A_19, %dma_start3A_39] : memref<2560x128xi32, #tpu.memory_space<hbm>> -> memref<80x128xi32, #tpu.memory_space<hbm>>
      tpu.enqueue_dma source(%dma_start3A_40 : memref<80x128xi32, #tpu.memory_space<hbm>>) target(%arg5 : memref<80x128xi32, #tpu.memory_space<vmem>>) target_semaphore(%run_scoped3A_37 : memref<!tpu.dma_semaphore, #tpu.memory_space<semaphore_mem>>)
      %dma_wait3A = arith.constant 0 : i32
      %dma_wait3A_41 = tpu.memref_slice %arg2[%mul3A_19, %dma_wait3A] : memref<2560x128xi32, #tpu.memory_space<hbm>> -> memref<80x128xi32, #tpu.memory_space<hbm>>
      %dma_wait3A_42 = arith.constant 0 : i32
      %dma_wait3A_43 = tpu.memref_slice %arg2[%mul3A_19, %dma_wait3A_42] : memref<2560x128xi32, #tpu.memory_space<hbm>> -> memref<80x128xi32, #tpu.memory_space<hbm>>
      tpu.wait_dma2 semaphore(%run_scoped3A_37 : memref<!tpu.dma_semaphore, #tpu.memory_space<semaphore_mem>>) src(%dma_wait3A_43 : memref<80x128xi32, #tpu.memory_space<hbm>>) dst(%arg5 : memref<80x128xi32, #tpu.memory_space<vmem>>)
      tpu.yield
    }) : () -> ()
    "tpu.region"() ({
      %run_scoped3A_37 = tpu.sem_alloc : memref<!tpu.dma_semaphore, #tpu.memory_space<semaphore_mem>>
      %dma_start3A = arith.constant 0 : i32
      %dma_start3A_38 = tpu.memref_slice %arg3[%mul3A_19, %dma_start3A] : memref<2560x128xi32, #tpu.memory_space<hbm>> -> memref<80x128xi32, #tpu.memory_space<hbm>>
      %dma_start3A_39 = arith.constant 0 : i32
      %dma_start3A_40 = tpu.memref_slice %arg3[%mul3A_19, %dma_start3A_39] : memref<2560x128xi32, #tpu.memory_space<hbm>> -> memref<80x128xi32, #tpu.memory_space<hbm>>
      tpu.enqueue_dma source(%dma_start3A_40 : memref<80x128xi32, #tpu.memory_space<hbm>>) target(%arg6 : memref<80x128xi32, #tpu.memory_space<vmem>>) target_semaphore(%run_scoped3A_37 : memref<!tpu.dma_semaphore, #tpu.memory_space<semaphore_mem>>)
      %dma_wait3A = arith.constant 0 : i32
      %dma_wait3A_41 = tpu.memref_slice %arg3[%mul3A_19, %dma_wait3A] : memref<2560x128xi32, #tpu.memory_space<hbm>> -> memref<80x128xi32, #tpu.memory_space<hbm>>
      %dma_wait3A_42 = arith.constant 0 : i32
      %dma_wait3A_43 = tpu.memref_slice %arg3[%mul3A_19, %dma_wait3A_42] : memref<2560x128xi32, #tpu.memory_space<hbm>> -> memref<80x128xi32, #tpu.memory_space<hbm>>
      tpu.wait_dma2 semaphore(%run_scoped3A_37 : memref<!tpu.dma_semaphore, #tpu.memory_space<semaphore_mem>>) src(%dma_wait3A_43 : memref<80x128xi32, #tpu.memory_space<hbm>>) dst(%arg6 : memref<80x128xi32, #tpu.memory_space<vmem>>)
      tpu.yield
    }) : () -> ()
    %scan3A_20 = arith.constant 0 : i32
    %scan3A_21 = arith.constant 0 : i32
    %scan3A_22 = arith.constant 80 : i32
    %scan3A_23 = arith.addi %scan3A_21, %scan3A_22 : i32
    %scan3A_24 = arith.constant 1 : i32
    %scan3A_25 = scf.for %scan3A_37 = %scan3A_21 to %scan3A_23 step %scan3A_24 iter_args(%scan3A_38 = %scan3A_20) -> (i32)  : i32 {
      "tpu.region"() ({
        %run_scoped3A_40 = tpu.sem_alloc : memref<!tpu.dma_semaphore, #tpu.memory_space<semaphore_mem>>
        %dma_start3A = arith.constant 0 : i32
        %dma_start3A_41 = tpu.memref_slice %arg5[%scan3A_37, %dma_start3A] : memref<80x128xi32, #tpu.memory_space<vmem>> -> memref<1x128xi32, #tpu.memory_space<vmem>>
        %dma_start3A_42 = tpu.memref_squeeze %dma_start3A_41 : memref<1x128xi32, #tpu.memory_space<vmem>> -> memref<128xi32, #tpu.memory_space<vmem>>
        %dma_start3A_43 = arith.constant 0 : i32
        %dma_start3A_44 = tpu.memref_slice %arg9[%dma_start3A_43] : memref<10240xf32, #tpu.memory_space<vmem_shared>> -> memref<10240xf32, #tpu.memory_space<vmem_shared>>
        tpu.enqueue_indirect_dma source(%arg7 : memref<128xf32, #tpu.memory_space<vmem>>) target(%dma_start3A_44 : memref<10240xf32, #tpu.memory_space<vmem_shared>>) offsets(%dma_start3A_42 : memref<128xi32, #tpu.memory_space<vmem>>) semaphore(%run_scoped3A_40 : memref<!tpu.dma_semaphore, #tpu.memory_space<semaphore_mem>>) {add = true}
        %dma_wait3A = arith.constant 0 : i32
        %dma_wait3A_45 = tpu.memref_slice %arg5[%scan3A_37, %dma_wait3A] : memref<80x128xi32, #tpu.memory_space<vmem>> -> memref<1x128xi32, #tpu.memory_space<vmem>>
        %dma_wait3A_46 = tpu.memref_squeeze %dma_wait3A_45 : memref<1x128xi32, #tpu.memory_space<vmem>> -> memref<128xi32, #tpu.memory_space<vmem>>
        %dma_wait3A_47 = arith.constant 0 : i32
        %dma_wait3A_48 = tpu.memref_slice %arg9[%dma_wait3A_47] : memref<10240xf32, #tpu.memory_space<vmem_shared>> -> memref<10240xf32, #tpu.memory_space<vmem_shared>>
        tpu.wait_indirect_dma semaphore(%run_scoped3A_40 : memref<!tpu.dma_semaphore, #tpu.memory_space<semaphore_mem>>) src(%arg7 : memref<128xf32, #tpu.memory_space<vmem>>) dst(%dma_wait3A_48 : memref<10240xf32, #tpu.memory_space<vmem_shared>>)
        tpu.yield
      }) : () -> ()
      "tpu.region"() ({
        %run_scoped3A_40 = tpu.sem_alloc : memref<!tpu.dma_semaphore, #tpu.memory_space<semaphore_mem>>
        %dma_start3A = arith.constant 0 : i32
        %dma_start3A_41 = tpu.memref_slice %arg6[%scan3A_37, %dma_start3A] : memref<80x128xi32, #tpu.memory_space<vmem>> -> memref<1x128xi32, #tpu.memory_space<vmem>>
        %dma_start3A_42 = tpu.memref_squeeze %dma_start3A_41 : memref<1x128xi32, #tpu.memory_space<vmem>> -> memref<128xi32, #tpu.memory_space<vmem>>
        %dma_start3A_43 = arith.constant 0 : i32
        %dma_start3A_44 = tpu.memref_slice %arg10[%dma_start3A_43] : memref<10240xf32, #tpu.memory_space<vmem_shared>> -> memref<10240xf32, #tpu.memory_space<vmem_shared>>
        tpu.enqueue_indirect_dma source(%arg7 : memref<128xf32, #tpu.memory_space<vmem>>) target(%dma_start3A_44 : memref<10240xf32, #tpu.memory_space<vmem_shared>>) offsets(%dma_start3A_42 : memref<128xi32, #tpu.memory_space<vmem>>) semaphore(%run_scoped3A_40 : memref<!tpu.dma_semaphore, #tpu.memory_space<semaphore_mem>>) {add = true}
        %dma_wait3A = arith.constant 0 : i32
        %dma_wait3A_45 = tpu.memref_slice %arg6[%scan3A_37, %dma_wait3A] : memref<80x128xi32, #tpu.memory_space<vmem>> -> memref<1x128xi32, #tpu.memory_space<vmem>>
        %dma_wait3A_46 = tpu.memref_squeeze %dma_wait3A_45 : memref<1x128xi32, #tpu.memory_space<vmem>> -> memref<128xi32, #tpu.memory_space<vmem>>
        %dma_wait3A_47 = arith.constant 0 : i32
        %dma_wait3A_48 = tpu.memref_slice %arg10[%dma_wait3A_47] : memref<10240xf32, #tpu.memory_space<vmem_shared>> -> memref<10240xf32, #tpu.memory_space<vmem_shared>>
        tpu.wait_indirect_dma semaphore(%run_scoped3A_40 : memref<!tpu.dma_semaphore, #tpu.memory_space<semaphore_mem>>) src(%arg7 : memref<128xf32, #tpu.memory_space<vmem>>) dst(%dma_wait3A_48 : memref<10240xf32, #tpu.memory_space<vmem_shared>>)
        tpu.yield
      }) : () -> ()
      %scan3A_39 = arith.constant 0 : i32
      scf.yield %scan3A_39 : i32
    }
    %scan3A_26 = arith.constant 80 : i32
    %barrier3A_27 = arith.constant 0 : index
    tpu.barrier barrier_id(%barrier3A_27)
    %mul3A_28 = arith.constant 640 : i32
    %mul3A_29 = arith.muli %arg1, %mul3A_28 : i32
    %mul3A_30 = arith.constant 640 : i32
    %mul3A_31 = arith.muli %arg1, %mul3A_30 : i32
    %run_scoped3A = arith.constant 0 : i32
    "tpu.region"() ({
      %run_scoped3A_37 = tpu.sem_alloc : memref<!tpu.dma_semaphore, #tpu.memory_space<semaphore_mem>>
      %dma_start3A = tpu.memref_slice %arg4[%arg0, %run_scoped3A, %mul3A_31] : memref<2x2x10240xf32, #tpu.memory_space<hbm>> -> memref<1x1x640xf32, #tpu.memory_space<hbm>>
      %dma_start3A_38 = tpu.memref_squeeze %dma_start3A : memref<1x1x640xf32, #tpu.memory_space<hbm>> -> memref<640xf32, #tpu.memory_space<hbm>>
      %dma_start3A_39 = tpu.memref_slice %arg9[%mul3A_29] : memref<10240xf32, #tpu.memory_space<vmem_shared>> -> memref<640xf32, #tpu.memory_space<vmem_shared>>
      tpu.enqueue_dma source(%dma_start3A_39 : memref<640xf32, #tpu.memory_space<vmem_shared>>) target(%dma_start3A_38 : memref<640xf32, #tpu.memory_space<hbm>>) target_semaphore(%run_scoped3A_37 : memref<!tpu.dma_semaphore, #tpu.memory_space<semaphore_mem>>)
      %dma_wait3A = tpu.memref_slice %arg4[%arg0, %run_scoped3A, %mul3A_31] : memref<2x2x10240xf32, #tpu.memory_space<hbm>> -> memref<1x1x640xf32, #tpu.memory_space<hbm>>
      %dma_wait3A_40 = tpu.memref_squeeze %dma_wait3A : memref<1x1x640xf32, #tpu.memory_space<hbm>> -> memref<640xf32, #tpu.memory_space<hbm>>
      %dma_wait3A_41 = tpu.memref_slice %arg9[%mul3A_29] : memref<10240xf32, #tpu.memory_space<vmem_shared>> -> memref<640xf32, #tpu.memory_space<vmem_shared>>
      tpu.wait_dma2 semaphore(%run_scoped3A_37 : memref<!tpu.dma_semaphore, #tpu.memory_space<semaphore_mem>>) src(%dma_wait3A_41 : memref<640xf32, #tpu.memory_space<vmem_shared>>) dst(%dma_wait3A_40 : memref<640xf32, #tpu.memory_space<hbm>>)
      tpu.yield
    }) : () -> ()
    %mul3A_32 = arith.constant 640 : i32
    %mul3A_33 = arith.muli %arg1, %mul3A_32 : i32
    %mul3A_34 = arith.constant 640 : i32
    %mul3A_35 = arith.muli %arg1, %mul3A_34 : i32
    %run_scoped3A_36 = arith.constant 1 : i32
    "tpu.region"() ({
      %run_scoped3A_37 = tpu.sem_alloc : memref<!tpu.dma_semaphore, #tpu.memory_space<semaphore_mem>>
      %dma_start3A = tpu.memref_slice %arg4[%arg0, %run_scoped3A_36, %mul3A_35] : memref<2x2x10240xf32, #tpu.memory_space<hbm>> -> memref<1x1x640xf32, #tpu.memory_space<hbm>>
      %dma_start3A_38 = tpu.memref_squeeze %dma_start3A : memref<1x1x640xf32, #tpu.memory_space<hbm>> -> memref<640xf32, #tpu.memory_space<hbm>>
      %dma_start3A_39 = tpu.memref_slice %arg10[%mul3A_33] : memref<10240xf32, #tpu.memory_space<vmem_shared>> -> memref<640xf32, #tpu.memory_space<vmem_shared>>
      tpu.enqueue_dma source(%dma_start3A_39 : memref<640xf32, #tpu.memory_space<vmem_shared>>) target(%dma_start3A_38 : memref<640xf32, #tpu.memory_space<hbm>>) target_semaphore(%run_scoped3A_37 : memref<!tpu.dma_semaphore, #tpu.memory_space<semaphore_mem>>)
      %dma_wait3A = tpu.memref_slice %arg4[%arg0, %run_scoped3A_36, %mul3A_35] : memref<2x2x10240xf32, #tpu.memory_space<hbm>> -> memref<1x1x640xf32, #tpu.memory_space<hbm>>
      %dma_wait3A_40 = tpu.memref_squeeze %dma_wait3A : memref<1x1x640xf32, #tpu.memory_space<hbm>> -> memref<640xf32, #tpu.memory_space<hbm>>
      %dma_wait3A_41 = tpu.memref_slice %arg10[%mul3A_33] : memref<10240xf32, #tpu.memory_space<vmem_shared>> -> memref<640xf32, #tpu.memory_space<vmem_shared>>
      tpu.wait_dma2 semaphore(%run_scoped3A_37 : memref<!tpu.dma_semaphore, #tpu.memory_space<semaphore_mem>>) src(%dma_wait3A_41 : memref<640xf32, #tpu.memory_space<vmem_shared>>) dst(%dma_wait3A_40 : memref<640xf32, #tpu.memory_space<hbm>>)
      tpu.yield
    }) : () -> ()
    return
  }
}

#map = affine_map<(d0, d1) -> (0, 0)>
#map1 = affine_map<(d0, d1) -> (0, 0, 0)>
module attributes {stable_mosaic.version = 14 : i64} {
  func.func @_gs_body(%arg0: i32, %arg1: i32, %arg2: memref<20480x128xf32, #tpu.memory_space<hbm>>, %arg3: memref<5120x64xi32, #tpu.memory_space<hbm>>, %arg4: memref<5120x64xi32, #tpu.memory_space<hbm>>, %arg5: memref<2x10240x128xf32, #tpu.memory_space<hbm>>, %arg6: memref<160x64xi32, #tpu.memory_space<vmem>>, %arg7: memref<160x64xi32, #tpu.memory_space<vmem>>, %arg8: memref<3x64x128xf32, #tpu.memory_space<vmem>>, %arg9: memref<10240x128xf32, #tpu.memory_space<vmem_shared>>, %arg10: memref<2x!tpu.dma_semaphore, #tpu.memory_space<semaphore_mem>>, %arg11: memref<1x!tpu.dma_semaphore, #tpu.memory_space<semaphore_mem>>) attributes {dimension_semantics = [#tpu.dimension_semantics<core_parallel>, #tpu.dimension_semantics<subcore_parallel>], iteration_bounds = array<i64: 2, 16>, scalar_prefetch = 0 : i64, scratch_operands = 6 : i64, tpu.core_type = #tpu.core_type<sc_vector_subcore>, window_params = [{transform_indices = #map}, {transform_indices = #map}, {transform_indices = #map}, {transform_indices = #map1}]} {
    %scan3A = arith.constant 0 : i32
    %scan3A_0 = arith.constant 0 : i32
    %scan3A_1 = arith.constant 512 : i32
    %scan3A_2 = arith.addi %scan3A_0, %scan3A_1 : i32
    %scan3A_3 = arith.constant 1 : i32
    %scan3A_4 = scf.for %scan3A_71 = %scan3A_0 to %scan3A_2 step %scan3A_3 iter_args(%scan3A_72 = %scan3A) -> (i32)  : i32 {
      %broadcast_in_dim3A = arith.constant 0.000000e+00 : f32
      %broadcast_in_dim3A_73 = vector.broadcast %broadcast_in_dim3A : f32 to vector<16xf32>
      %jit3A = arith.constant 8 : i32
      %div3A = arith.divsi %scan3A_71, %jit3A : i32
      %sign3A = arith.constant 0 : i32
      %sign3A_74 = arith.cmpi sgt, %scan3A_71, %sign3A : i32
      %sign3A_75 = arith.extui %sign3A_74 : i1 to i32
      %sign3A_76 = arith.constant 0 : i32
      %sign3A_77 = arith.cmpi slt, %scan3A_71, %sign3A_76 : i32
      %sign3A_78 = arith.extui %sign3A_77 : i1 to i32
      %sign3A_79 = arith.subi %sign3A_75, %sign3A_78 : i32
      %sign3A_80 = arith.constant 0 : i32
      %sign3A_81 = arith.cmpi sgt, %jit3A, %sign3A_80 : i32
      %sign3A_82 = arith.extui %sign3A_81 : i1 to i32
      %sign3A_83 = arith.constant 0 : i32
      %sign3A_84 = arith.cmpi slt, %jit3A, %sign3A_83 : i32
      %sign3A_85 = arith.extui %sign3A_84 : i1 to i32
      %sign3A_86 = arith.subi %sign3A_82, %sign3A_85 : i32
      %ne3A = arith.cmpi ne, %sign3A_79, %sign3A_86 : i32
      %rem3A = arith.remsi %scan3A_71, %jit3A : i32
      %ne3A_87 = arith.constant 0 : i32
      %ne3A_88 = arith.cmpi ne, %rem3A, %ne3A_87 : i32
      %and3A = arith.andi %ne3A, %ne3A_88 : i1
      %sub3A = arith.constant 1 : i32
      %sub3A_89 = arith.subi %div3A, %sub3A : i32
      %select_n3A = arith.select %and3A, %sub3A_89, %div3A : i32
      %jit3A_90 = arith.constant 8 : i32
      %eq3A = arith.constant 0 : i32
      %eq3A_91 = arith.cmpi eq, %jit3A_90, %eq3A : i32
      %jit3A_92 = arith.constant 1 : i32
      %select_n3A_93 = arith.select %eq3A_91, %jit3A_92, %jit3A_90 : i32
      %rem3A_94 = arith.remsi %scan3A_71, %select_n3A_93 : i32
      %ne3A_95 = arith.constant 0 : i32
      %ne3A_96 = arith.cmpi ne, %rem3A_94, %ne3A_95 : i32
      %lt3A = arith.constant 0 : i32
      %lt3A_97 = arith.cmpi slt, %rem3A_94, %lt3A : i32
      %lt3A_98 = arith.constant 0 : i32
      %lt3A_99 = arith.cmpi slt, %select_n3A_93, %lt3A_98 : i32
      %ne3A_100 = arith.xori %lt3A_97, %lt3A_99 : i1
      %and3A_101 = arith.andi %ne3A_100, %ne3A_96 : i1
      %add3A_102 = arith.addi %rem3A_94, %select_n3A_93 : i32
      %select_n3A_103 = arith.select %and3A_101, %add3A_102, %rem3A_94 : i32
      %mul3A_104 = arith.constant 16 : i32
      %mul3A_105 = arith.muli %select_n3A_103, %mul3A_104 : i32
      %swap3A = arith.constant 0 : i32
      %swap3A_106 = arith.index_cast %swap3A : i32 to index
      %swap3A_107 = arith.index_cast %select_n3A : i32 to index
      %swap3A_108 = arith.index_cast %mul3A_105 : i32 to index
      %swap3A_109 = tpu.vector_load %arg8[%swap3A_106, %swap3A_107, %swap3A_108] {strides = array<i32>} : memref<3x64x128xf32, #tpu.memory_space<vmem>>, vector<1x1x16xf32>,
      %swap3A_110 = vector.shape_cast %swap3A_109 : vector<1x1x16xf32> to vector<16xf32>
      %swap3A_111 = vector.shape_cast %broadcast_in_dim3A_73 : vector<16xf32> to vector<1x1x16xf32>
      tpu.vector_store %arg8[%swap3A_106, %swap3A_107, %swap3A_108], %swap3A_111 {strides = array<i32>} : memref<3x64x128xf32, #tpu.memory_space<vmem>>, vector<1x1x16xf32>,
      %scan3A_112 = arith.constant 0 : i32
      scf.yield %scan3A_112 : i32
    }
    %scan3A_5 = arith.constant 512 : i32
    %scan3A_6 = arith.constant 0 : i32
    %scan3A_7 = arith.constant 0 : i32
    %scan3A_8 = arith.constant 10 : i32
    %scan3A_9 = arith.addi %scan3A_7, %scan3A_8 : i32
    %scan3A_10 = arith.constant 1 : i32
    %scan3A_11 = scf.for %scan3A_71 = %scan3A_7 to %scan3A_9 step %scan3A_10 iter_args(%scan3A_72 = %scan3A_6) -> (i32)  : i32 {
      %mul3A_73 = arith.constant 640 : i32
      %mul3A_74 = arith.muli %arg1, %mul3A_73 : i32
      %mul3A_75 = arith.constant 64 : i32
      %mul3A_76 = arith.muli %scan3A_71, %mul3A_75 : i32
      %add3A_77 = arith.addi %mul3A_74, %mul3A_76 : i32
      %run_scoped3A = arith.constant 0 : i32
      "tpu.region"() ({
        %run_scoped3A_79 = tpu.sem_alloc : memref<!tpu.dma_semaphore, #tpu.memory_space<semaphore_mem>>
        %dma_start3A_80 = arith.constant 0 : i32
        %dma_start3A_81 = arith.constant 0 : i32
        %dma_start3A_82 = tpu.memref_slice %arg8[%run_scoped3A, %dma_start3A_80, %dma_start3A_81] : memref<3x64x128xf32, #tpu.memory_space<vmem>> -> memref<1x64x128xf32, #tpu.memory_space<vmem>>
        %dma_start3A_83 = tpu.memref_squeeze %dma_start3A_82 : memref<1x64x128xf32, #tpu.memory_space<vmem>> -> memref<64x128xf32, #tpu.memory_space<vmem>>
        %dma_start3A_84 = arith.constant 0 : i32
        %dma_start3A_85 = tpu.memref_slice %arg9[%add3A_77, %dma_start3A_84] : memref<10240x128xf32, #tpu.memory_space<vmem_shared>> -> memref<64x128xf32, #tpu.memory_space<vmem_shared>>
        %dma_start3A_86 = arith.constant 0 : i32
        %dma_start3A_87 = tpu.memref_slice %arg9[%add3A_77, %dma_start3A_86] : memref<10240x128xf32, #tpu.memory_space<vmem_shared>> -> memref<64x128xf32, #tpu.memory_space<vmem_shared>>
        %dma_start3A_88 = arith.constant 0 : i32
        %dma_start3A_89 = arith.constant 0 : i32
        %dma_start3A_90 = tpu.memref_slice %arg8[%run_scoped3A, %dma_start3A_88, %dma_start3A_89] : memref<3x64x128xf32, #tpu.memory_space<vmem>> -> memref<1x64x128xf32, #tpu.memory_space<vmem>>
        %dma_start3A_91 = tpu.memref_squeeze %dma_start3A_90 : memref<1x64x128xf32, #tpu.memory_space<vmem>> -> memref<64x128xf32, #tpu.memory_space<vmem>>
        tpu.enqueue_dma source(%dma_start3A_91 : memref<64x128xf32, #tpu.memory_space<vmem>>) target(%dma_start3A_87 : memref<64x128xf32, #tpu.memory_space<vmem_shared>>) target_semaphore(%run_scoped3A_79 : memref<!tpu.dma_semaphore, #tpu.memory_space<semaphore_mem>>)
        %dma_wait3A_92 = arith.constant 0 : i32
        %dma_wait3A_93 = arith.constant 0 : i32
        %dma_wait3A_94 = tpu.memref_slice %arg8[%run_scoped3A, %dma_wait3A_92, %dma_wait3A_93] : memref<3x64x128xf32, #tpu.memory_space<vmem>> -> memref<1x64x128xf32, #tpu.memory_space<vmem>>
        %dma_wait3A_95 = tpu.memref_squeeze %dma_wait3A_94 : memref<1x64x128xf32, #tpu.memory_space<vmem>> -> memref<64x128xf32, #tpu.memory_space<vmem>>
        %dma_wait3A_96 = arith.constant 0 : i32
        %dma_wait3A_97 = tpu.memref_slice %arg9[%add3A_77, %dma_wait3A_96] : memref<10240x128xf32, #tpu.memory_space<vmem_shared>> -> memref<64x128xf32, #tpu.memory_space<vmem_shared>>
        %dma_wait3A_98 = arith.constant 0 : i32
        %dma_wait3A_99 = tpu.memref_slice %arg9[%add3A_77, %dma_wait3A_98] : memref<10240x128xf32, #tpu.memory_space<vmem_shared>> -> memref<64x128xf32, #tpu.memory_space<vmem_shared>>
        %dma_wait3A_100 = arith.constant 0 : i32
        %dma_wait3A_101 = arith.constant 0 : i32
        %dma_wait3A_102 = tpu.memref_slice %arg8[%run_scoped3A, %dma_wait3A_100, %dma_wait3A_101] : memref<3x64x128xf32, #tpu.memory_space<vmem>> -> memref<1x64x128xf32, #tpu.memory_space<vmem>>
        %dma_wait3A_103 = tpu.memref_squeeze %dma_wait3A_102 : memref<1x64x128xf32, #tpu.memory_space<vmem>> -> memref<64x128xf32, #tpu.memory_space<vmem>>
        tpu.wait_dma2 semaphore(%run_scoped3A_79 : memref<!tpu.dma_semaphore, #tpu.memory_space<semaphore_mem>>) src(%dma_wait3A_103 : memref<64x128xf32, #tpu.memory_space<vmem>>) dst(%dma_wait3A_99 : memref<64x128xf32, #tpu.memory_space<vmem_shared>>)
        tpu.yield
      }) : () -> ()
      %scan3A_78 = arith.constant 0 : i32
      scf.yield %scan3A_78 : i32
    }
    %scan3A_12 = arith.constant 10 : i32
    %barrier3A = arith.constant 0 : index
    tpu.barrier barrier_id(%barrier3A)
    %mul3A = arith.constant 16 : i32
    %mul3A_13 = arith.muli %arg0, %mul3A : i32
    %add3A = arith.addi %mul3A_13, %arg1 : i32
    %mul3A_14 = arith.constant 160 : i32
    %mul3A_15 = arith.muli %add3A, %mul3A_14 : i32
    "tpu.region"() ({
      %run_scoped3A = tpu.sem_alloc : memref<!tpu.dma_semaphore, #tpu.memory_space<semaphore_mem>>
      %dma_start3A_71 = arith.constant 0 : i32
      %dma_start3A_72 = tpu.memref_slice %arg3[%mul3A_15, %dma_start3A_71] : memref<5120x64xi32, #tpu.memory_space<hbm>> -> memref<160x64xi32, #tpu.memory_space<hbm>>
      %dma_start3A_73 = arith.constant 0 : i32
      %dma_start3A_74 = tpu.memref_slice %arg3[%mul3A_15, %dma_start3A_73] : memref<5120x64xi32, #tpu.memory_space<hbm>> -> memref<160x64xi32, #tpu.memory_space<hbm>>
      tpu.enqueue_dma source(%dma_start3A_74 : memref<160x64xi32, #tpu.memory_space<hbm>>) target(%arg6 : memref<160x64xi32, #tpu.memory_space<vmem>>) target_semaphore(%run_scoped3A : memref<!tpu.dma_semaphore, #tpu.memory_space<semaphore_mem>>)
      %dma_wait3A_75 = arith.constant 0 : i32
      %dma_wait3A_76 = tpu.memref_slice %arg3[%mul3A_15, %dma_wait3A_75] : memref<5120x64xi32, #tpu.memory_space<hbm>> -> memref<160x64xi32, #tpu.memory_space<hbm>>
      %dma_wait3A_77 = arith.constant 0 : i32
      %dma_wait3A_78 = tpu.memref_slice %arg3[%mul3A_15, %dma_wait3A_77] : memref<5120x64xi32, #tpu.memory_space<hbm>> -> memref<160x64xi32, #tpu.memory_space<hbm>>
      tpu.wait_dma2 semaphore(%run_scoped3A : memref<!tpu.dma_semaphore, #tpu.memory_space<semaphore_mem>>) src(%dma_wait3A_78 : memref<160x64xi32, #tpu.memory_space<hbm>>) dst(%arg6 : memref<160x64xi32, #tpu.memory_space<vmem>>)
      tpu.yield
    }) : () -> ()
    "tpu.region"() ({
      %run_scoped3A = tpu.sem_alloc : memref<!tpu.dma_semaphore, #tpu.memory_space<semaphore_mem>>
      %dma_start3A_71 = arith.constant 0 : i32
      %dma_start3A_72 = tpu.memref_slice %arg4[%mul3A_15, %dma_start3A_71] : memref<5120x64xi32, #tpu.memory_space<hbm>> -> memref<160x64xi32, #tpu.memory_space<hbm>>
      %dma_start3A_73 = arith.constant 0 : i32
      %dma_start3A_74 = tpu.memref_slice %arg4[%mul3A_15, %dma_start3A_73] : memref<5120x64xi32, #tpu.memory_space<hbm>> -> memref<160x64xi32, #tpu.memory_space<hbm>>
      tpu.enqueue_dma source(%dma_start3A_74 : memref<160x64xi32, #tpu.memory_space<hbm>>) target(%arg7 : memref<160x64xi32, #tpu.memory_space<vmem>>) target_semaphore(%run_scoped3A : memref<!tpu.dma_semaphore, #tpu.memory_space<semaphore_mem>>)
      %dma_wait3A_75 = arith.constant 0 : i32
      %dma_wait3A_76 = tpu.memref_slice %arg4[%mul3A_15, %dma_wait3A_75] : memref<5120x64xi32, #tpu.memory_space<hbm>> -> memref<160x64xi32, #tpu.memory_space<hbm>>
      %dma_wait3A_77 = arith.constant 0 : i32
      %dma_wait3A_78 = tpu.memref_slice %arg4[%mul3A_15, %dma_wait3A_77] : memref<5120x64xi32, #tpu.memory_space<hbm>> -> memref<160x64xi32, #tpu.memory_space<hbm>>
      tpu.wait_dma2 semaphore(%run_scoped3A : memref<!tpu.dma_semaphore, #tpu.memory_space<semaphore_mem>>) src(%dma_wait3A_78 : memref<160x64xi32, #tpu.memory_space<hbm>>) dst(%arg7 : memref<160x64xi32, #tpu.memory_space<vmem>>)
      tpu.yield
    }) : () -> ()
    %dma_start3A = arith.constant 0 : i32
    %dma_start3A_16 = arith.constant 0 : i32
    %dma_start3A_17 = arith.constant 0 : i32
    %dma_start3A_18 = arith.constant 0 : i32
    %dma_start3A_19 = arith.constant 0 : i32
    %dma_start3A_20 = tpu.memref_slice %arg8[%dma_start3A_16, %dma_start3A_18, %dma_start3A_19] : memref<3x64x128xf32, #tpu.memory_space<vmem>> -> memref<1x64x128xf32, #tpu.memory_space<vmem>>
    %dma_start3A_21 = tpu.memref_squeeze %dma_start3A_20 : memref<1x64x128xf32, #tpu.memory_space<vmem>> -> memref<64x128xf32, #tpu.memory_space<vmem>>
    %dma_start3A_22 = arith.constant 0 : i32
    %dma_start3A_23 = tpu.memref_slice %arg6[%dma_start3A, %dma_start3A_22] : memref<160x64xi32, #tpu.memory_space<vmem>> -> memref<1x64xi32, #tpu.memory_space<vmem>>
    %dma_start3A_24 = tpu.memref_squeeze %dma_start3A_23 : memref<1x64xi32, #tpu.memory_space<vmem>> -> memref<64xi32, #tpu.memory_space<vmem>>
    %dma_start3A_25 = arith.constant 0 : i32
    %dma_start3A_26 = arith.constant 0 : i32
    %dma_start3A_27 = tpu.memref_slice %arg2[%dma_start3A_25, %dma_start3A_26] : memref<20480x128xf32, #tpu.memory_space<hbm>> -> memref<20480x128xf32, #tpu.memory_space<hbm>>
    %dma_start3A_28 = tpu.memref_slice %arg10[%dma_start3A_17] : memref<2x!tpu.dma_semaphore, #tpu.memory_space<semaphore_mem>> -> memref<1x!tpu.dma_semaphore, #tpu.memory_space<semaphore_mem>>
    %dma_start3A_29 = tpu.memref_squeeze %dma_start3A_28 : memref<1x!tpu.dma_semaphore, #tpu.memory_space<semaphore_mem>> -> memref<!tpu.dma_semaphore, #tpu.memory_space<semaphore_mem>>
    tpu.enqueue_indirect_dma source(%dma_start3A_27 : memref<20480x128xf32, #tpu.memory_space<hbm>>) target(%dma_start3A_21 : memref<64x128xf32, #tpu.memory_space<vmem>>) offsets(%dma_start3A_24 : memref<64xi32, #tpu.memory_space<vmem>>) semaphore(%dma_start3A_29 : memref<!tpu.dma_semaphore, #tpu.memory_space<semaphore_mem>>)
    %dma_start3A_30 = arith.constant 1 : i32
    %dma_start3A_31 = arith.constant 1 : i32
    %dma_start3A_32 = arith.constant 1 : i32
    %dma_start3A_33 = arith.constant 0 : i32
    %dma_start3A_34 = arith.constant 0 : i32
    %dma_start3A_35 = tpu.memref_slice %arg8[%dma_start3A_31, %dma_start3A_33, %dma_start3A_34] : memref<3x64x128xf32, #tpu.memory_space<vmem>> -> memref<1x64x128xf32, #tpu.memory_space<vmem>>
    %dma_start3A_36 = tpu.memref_squeeze %dma_start3A_35 : memref<1x64x128xf32, #tpu.memory_space<vmem>> -> memref<64x128xf32, #tpu.memory_space<vmem>>
    %dma_start3A_37 = arith.constant 0 : i32
    %dma_start3A_38 = tpu.memref_slice %arg6[%dma_start3A_30, %dma_start3A_37] : memref<160x64xi32, #tpu.memory_space<vmem>> -> memref<1x64xi32, #tpu.memory_space<vmem>>
    %dma_start3A_39 = tpu.memref_squeeze %dma_start3A_38 : memref<1x64xi32, #tpu.memory_space<vmem>> -> memref<64xi32, #tpu.memory_space<vmem>>
    %dma_start3A_40 = arith.constant 0 : i32
    %dma_start3A_41 = arith.constant 0 : i32
    %dma_start3A_42 = tpu.memref_slice %arg2[%dma_start3A_40, %dma_start3A_41] : memref<20480x128xf32, #tpu.memory_space<hbm>> -> memref<20480x128xf32, #tpu.memory_space<hbm>>
    %dma_start3A_43 = tpu.memref_slice %arg10[%dma_start3A_32] : memref<2x!tpu.dma_semaphore, #tpu.memory_space<semaphore_mem>> -> memref<1x!tpu.dma_semaphore, #tpu.memory_space<semaphore_mem>>
    %dma_start3A_44 = tpu.memref_squeeze %dma_start3A_43 : memref<1x!tpu.dma_semaphore, #tpu.memory_space<semaphore_mem>> -> memref<!tpu.dma_semaphore, #tpu.memory_space<semaphore_mem>>
    tpu.enqueue_indirect_dma source(%dma_start3A_42 : memref<20480x128xf32, #tpu.memory_space<hbm>>) target(%dma_start3A_36 : memref<64x128xf32, #tpu.memory_space<vmem>>) offsets(%dma_start3A_39 : memref<64xi32, #tpu.memory_space<vmem>>) semaphore(%dma_start3A_44 : memref<!tpu.dma_semaphore, #tpu.memory_space<semaphore_mem>>)
    %scan3A_45 = arith.constant 0 : i32
    %scan3A_46 = arith.constant 0 : i32
    %scan3A_47 = arith.constant 160 : i32
    %scan3A_48 = arith.addi %scan3A_46, %scan3A_47 : i32
    %scan3A_49 = arith.constant 1 : i32
    %scan3A_50 = scf.for %scan3A_71 = %scan3A_46 to %scan3A_48 step %scan3A_49 iter_args(%scan3A_72 = %scan3A_45) -> (i32)  : i32 {
      %rem3A = arith.constant 3 : i32
      %rem3A_73 = arith.remsi %scan3A_71, %rem3A : i32
      %rem3A_74 = arith.constant 2 : i32
      %rem3A_75 = arith.remsi %scan3A_71, %rem3A_74 : i32
      %dma_wait3A_76 = arith.constant 0 : i32
      %dma_wait3A_77 = arith.constant 0 : i32
      %dma_wait3A_78 = tpu.memref_slice %arg8[%rem3A_73, %dma_wait3A_76, %dma_wait3A_77] : memref<3x64x128xf32, #tpu.memory_space<vmem>> -> memref<1x64x128xf32, #tpu.memory_space<vmem>>
      %dma_wait3A_79 = tpu.memref_squeeze %dma_wait3A_78 : memref<1x64x128xf32, #tpu.memory_space<vmem>> -> memref<64x128xf32, #tpu.memory_space<vmem>>
      %dma_wait3A_80 = arith.constant 0 : i32
      %dma_wait3A_81 = tpu.memref_slice %arg6[%scan3A_71, %dma_wait3A_80] : memref<160x64xi32, #tpu.memory_space<vmem>> -> memref<1x64xi32, #tpu.memory_space<vmem>>
      %dma_wait3A_82 = tpu.memref_squeeze %dma_wait3A_81 : memref<1x64xi32, #tpu.memory_space<vmem>> -> memref<64xi32, #tpu.memory_space<vmem>>
      %dma_wait3A_83 = arith.constant 0 : i32
      %dma_wait3A_84 = arith.constant 0 : i32
      %dma_wait3A_85 = tpu.memref_slice %arg2[%dma_wait3A_83, %dma_wait3A_84] : memref<20480x128xf32, #tpu.memory_space<hbm>> -> memref<20480x128xf32, #tpu.memory_space<hbm>>
      %dma_wait3A_86 = tpu.memref_slice %arg10[%rem3A_75] : memref<2x!tpu.dma_semaphore, #tpu.memory_space<semaphore_mem>> -> memref<1x!tpu.dma_semaphore, #tpu.memory_space<semaphore_mem>>
      %dma_wait3A_87 = tpu.memref_squeeze %dma_wait3A_86 : memref<1x!tpu.dma_semaphore, #tpu.memory_space<semaphore_mem>> -> memref<!tpu.dma_semaphore, #tpu.memory_space<semaphore_mem>>
      tpu.wait_indirect_dma semaphore(%dma_wait3A_87 : memref<!tpu.dma_semaphore, #tpu.memory_space<semaphore_mem>>) src(%dma_wait3A_85 : memref<20480x128xf32, #tpu.memory_space<hbm>>) dst(%dma_wait3A_79 : memref<64x128xf32, #tpu.memory_space<vmem>>)
      %ge3A = arith.constant 1 : i32
      %ge3A_88 = arith.cmpi sge, %scan3A_71, %ge3A : i32
      %convert_element_type3A = arith.extui %ge3A_88 : i1 to i32
      %cond3A = arith.constant 0 : i32
      %cond3A_89 = arith.cmpi ne, %convert_element_type3A, %cond3A : i32
      scf.if %cond3A_89 {
        %sub3A = arith.constant 1 : i32
        %sub3A_111 = arith.subi %scan3A_71, %sub3A : i32
        %rem3A_112 = arith.constant 3 : i32
        %rem3A_113 = arith.remsi %sub3A_111, %rem3A_112 : i32
        %rem3A_114 = arith.constant 1 : i32
        %rem3A_115 = arith.remsi %sub3A_111, %rem3A_114 : i32
        %dma_wait3A_116 = arith.constant 0 : i32
        %dma_wait3A_117 = arith.constant 0 : i32
        %dma_wait3A_118 = tpu.memref_slice %arg8[%rem3A_113, %dma_wait3A_116, %dma_wait3A_117] : memref<3x64x128xf32, #tpu.memory_space<vmem>> -> memref<1x64x128xf32, #tpu.memory_space<vmem>>
        %dma_wait3A_119 = tpu.memref_squeeze %dma_wait3A_118 : memref<1x64x128xf32, #tpu.memory_space<vmem>> -> memref<64x128xf32, #tpu.memory_space<vmem>>
        %dma_wait3A_120 = arith.constant 0 : i32
        %dma_wait3A_121 = tpu.memref_slice %arg7[%sub3A_111, %dma_wait3A_120] : memref<160x64xi32, #tpu.memory_space<vmem>> -> memref<1x64xi32, #tpu.memory_space<vmem>>
        %dma_wait3A_122 = tpu.memref_squeeze %dma_wait3A_121 : memref<1x64xi32, #tpu.memory_space<vmem>> -> memref<64xi32, #tpu.memory_space<vmem>>
        %dma_wait3A_123 = arith.constant 0 : i32
        %dma_wait3A_124 = arith.constant 0 : i32
        %dma_wait3A_125 = tpu.memref_slice %arg9[%dma_wait3A_123, %dma_wait3A_124] : memref<10240x128xf32, #tpu.memory_space<vmem_shared>> -> memref<10240x128xf32, #tpu.memory_space<vmem_shared>>
        %dma_wait3A_126 = tpu.memref_slice %arg11[%rem3A_115] : memref<1x!tpu.dma_semaphore, #tpu.memory_space<semaphore_mem>> -> memref<1x!tpu.dma_semaphore, #tpu.memory_space<semaphore_mem>>
        %dma_wait3A_127 = tpu.memref_squeeze %dma_wait3A_126 : memref<1x!tpu.dma_semaphore, #tpu.memory_space<semaphore_mem>> -> memref<!tpu.dma_semaphore, #tpu.memory_space<semaphore_mem>>
        tpu.wait_indirect_dma semaphore(%dma_wait3A_127 : memref<!tpu.dma_semaphore, #tpu.memory_space<semaphore_mem>>) src(%dma_wait3A_119 : memref<64x128xf32, #tpu.memory_space<vmem>>) dst(%dma_wait3A_125 : memref<10240x128xf32, #tpu.memory_space<vmem_shared>>)
      } else {
      }
      %rem3A_90 = arith.constant 1 : i32
      %rem3A_91 = arith.remsi %scan3A_71, %rem3A_90 : i32
      %dma_start3A_92 = arith.constant 0 : i32
      %dma_start3A_93 = arith.constant 0 : i32
      %dma_start3A_94 = tpu.memref_slice %arg8[%rem3A_73, %dma_start3A_92, %dma_start3A_93] : memref<3x64x128xf32, #tpu.memory_space<vmem>> -> memref<1x64x128xf32, #tpu.memory_space<vmem>>
      %dma_start3A_95 = tpu.memref_squeeze %dma_start3A_94 : memref<1x64x128xf32, #tpu.memory_space<vmem>> -> memref<64x128xf32, #tpu.memory_space<vmem>>
      %dma_start3A_96 = arith.constant 0 : i32
      %dma_start3A_97 = tpu.memref_slice %arg7[%scan3A_71, %dma_start3A_96] : memref<160x64xi32, #tpu.memory_space<vmem>> -> memref<1x64xi32, #tpu.memory_space<vmem>>
      %dma_start3A_98 = tpu.memref_squeeze %dma_start3A_97 : memref<1x64xi32, #tpu.memory_space<vmem>> -> memref<64xi32, #tpu.memory_space<vmem>>
      %dma_start3A_99 = arith.constant 0 : i32
      %dma_start3A_100 = arith.constant 0 : i32
      %dma_start3A_101 = tpu.memref_slice %arg9[%dma_start3A_99, %dma_start3A_100] : memref<10240x128xf32, #tpu.memory_space<vmem_shared>> -> memref<10240x128xf32, #tpu.memory_space<vmem_shared>>
      %dma_start3A_102 = tpu.memref_slice %arg11[%rem3A_91] : memref<1x!tpu.dma_semaphore, #tpu.memory_space<semaphore_mem>> -> memref<1x!tpu.dma_semaphore, #tpu.memory_space<semaphore_mem>>
      %dma_start3A_103 = tpu.memref_squeeze %dma_start3A_102 : memref<1x!tpu.dma_semaphore, #tpu.memory_space<semaphore_mem>> -> memref<!tpu.dma_semaphore, #tpu.memory_space<semaphore_mem>>
      tpu.enqueue_indirect_dma source(%dma_start3A_95 : memref<64x128xf32, #tpu.memory_space<vmem>>) target(%dma_start3A_101 : memref<10240x128xf32, #tpu.memory_space<vmem_shared>>) offsets(%dma_start3A_98 : memref<64xi32, #tpu.memory_space<vmem>>) semaphore(%dma_start3A_103 : memref<!tpu.dma_semaphore, #tpu.memory_space<semaphore_mem>>) {add = true}
      %add3A_104 = arith.constant 2 : i32
      %add3A_105 = arith.addi %scan3A_71, %add3A_104 : i32
      %lt3A = arith.constant 160 : i32
      %lt3A_106 = arith.cmpi slt, %add3A_105, %lt3A : i32
      %convert_element_type3A_107 = arith.extui %lt3A_106 : i1 to i32
      %cond3A_108 = arith.constant 0 : i32
      %cond3A_109 = arith.cmpi ne, %convert_element_type3A_107, %cond3A_108 : i32
      scf.if %cond3A_109 {
        %add3A_111 = arith.constant 2 : i32
        %add3A_112 = arith.addi %scan3A_71, %add3A_111 : i32
        %rem3A_113 = arith.constant 3 : i32
        %rem3A_114 = arith.remsi %add3A_112, %rem3A_113 : i32
        %rem3A_115 = arith.constant 2 : i32
        %rem3A_116 = arith.remsi %add3A_112, %rem3A_115 : i32
        %dma_start3A_117 = arith.constant 0 : i32
        %dma_start3A_118 = arith.constant 0 : i32
        %dma_start3A_119 = tpu.memref_slice %arg8[%rem3A_114, %dma_start3A_117, %dma_start3A_118] : memref<3x64x128xf32, #tpu.memory_space<vmem>> -> memref<1x64x128xf32, #tpu.memory_space<vmem>>
        %dma_start3A_120 = tpu.memref_squeeze %dma_start3A_119 : memref<1x64x128xf32, #tpu.memory_space<vmem>> -> memref<64x128xf32, #tpu.memory_space<vmem>>
        %dma_start3A_121 = arith.constant 0 : i32
        %dma_start3A_122 = tpu.memref_slice %arg6[%add3A_112, %dma_start3A_121] : memref<160x64xi32, #tpu.memory_space<vmem>> -> memref<1x64xi32, #tpu.memory_space<vmem>>
        %dma_start3A_123 = tpu.memref_squeeze %dma_start3A_122 : memref<1x64xi32, #tpu.memory_space<vmem>> -> memref<64xi32, #tpu.memory_space<vmem>>
        %dma_start3A_124 = arith.constant 0 : i32
        %dma_start3A_125 = arith.constant 0 : i32
        %dma_start3A_126 = tpu.memref_slice %arg2[%dma_start3A_124, %dma_start3A_125] : memref<20480x128xf32, #tpu.memory_space<hbm>> -> memref<20480x128xf32, #tpu.memory_space<hbm>>
        %dma_start3A_127 = tpu.memref_slice %arg10[%rem3A_116] : memref<2x!tpu.dma_semaphore, #tpu.memory_space<semaphore_mem>> -> memref<1x!tpu.dma_semaphore, #tpu.memory_space<semaphore_mem>>
        %dma_start3A_128 = tpu.memref_squeeze %dma_start3A_127 : memref<1x!tpu.dma_semaphore, #tpu.memory_space<semaphore_mem>> -> memref<!tpu.dma_semaphore, #tpu.memory_space<semaphore_mem>>
        tpu.enqueue_indirect_dma source(%dma_start3A_126 : memref<20480x128xf32, #tpu.memory_space<hbm>>) target(%dma_start3A_120 : memref<64x128xf32, #tpu.memory_space<vmem>>) offsets(%dma_start3A_123 : memref<64xi32, #tpu.memory_space<vmem>>) semaphore(%dma_start3A_128 : memref<!tpu.dma_semaphore, #tpu.memory_space<semaphore_mem>>)
      } else {
      }
      %scan3A_110 = arith.constant 0 : i32
      scf.yield %scan3A_110 : i32
    }
    %scan3A_51 = arith.constant 160 : i32
    %dma_wait3A = arith.constant 0 : i32
    %dma_wait3A_52 = arith.constant 159 : i32
    %dma_wait3A_53 = arith.constant 0 : i32
    %dma_wait3A_54 = arith.constant 0 : i32
    %dma_wait3A_55 = arith.constant 0 : i32
    %dma_wait3A_56 = tpu.memref_slice %arg8[%dma_wait3A, %dma_wait3A_54, %dma_wait3A_55] : memref<3x64x128xf32, #tpu.memory_space<vmem>> -> memref<1x64x128xf32, #tpu.memory_space<vmem>>
    %dma_wait3A_57 = tpu.memref_squeeze %dma_wait3A_56 : memref<1x64x128xf32, #tpu.memory_space<vmem>> -> memref<64x128xf32, #tpu.memory_space<vmem>>
    %dma_wait3A_58 = arith.constant 0 : i32
    %dma_wait3A_59 = tpu.memref_slice %arg7[%dma_wait3A_52, %dma_wait3A_58] : memref<160x64xi32, #tpu.memory_space<vmem>> -> memref<1x64xi32, #tpu.memory_space<vmem>>
    %dma_wait3A_60 = tpu.memref_squeeze %dma_wait3A_59 : memref<1x64xi32, #tpu.memory_space<vmem>> -> memref<64xi32, #tpu.memory_space<vmem>>
    %dma_wait3A_61 = arith.constant 0 : i32
    %dma_wait3A_62 = arith.constant 0 : i32
    %dma_wait3A_63 = tpu.memref_slice %arg9[%dma_wait3A_61, %dma_wait3A_62] : memref<10240x128xf32, #tpu.memory_space<vmem_shared>> -> memref<10240x128xf32, #tpu.memory_space<vmem_shared>>
    %dma_wait3A_64 = tpu.memref_slice %arg11[%dma_wait3A_53] : memref<1x!tpu.dma_semaphore, #tpu.memory_space<semaphore_mem>> -> memref<1x!tpu.dma_semaphore, #tpu.memory_space<semaphore_mem>>
    %dma_wait3A_65 = tpu.memref_squeeze %dma_wait3A_64 : memref<1x!tpu.dma_semaphore, #tpu.memory_space<semaphore_mem>> -> memref<!tpu.dma_semaphore, #tpu.memory_space<semaphore_mem>>
    tpu.wait_indirect_dma semaphore(%dma_wait3A_65 : memref<!tpu.dma_semaphore, #tpu.memory_space<semaphore_mem>>) src(%dma_wait3A_57 : memref<64x128xf32, #tpu.memory_space<vmem>>) dst(%dma_wait3A_63 : memref<10240x128xf32, #tpu.memory_space<vmem_shared>>)
    %barrier3A_66 = arith.constant 0 : index
    tpu.barrier barrier_id(%barrier3A_66)
    %mul3A_67 = arith.constant 640 : i32
    %mul3A_68 = arith.muli %arg1, %mul3A_67 : i32
    %mul3A_69 = arith.constant 640 : i32
    %mul3A_70 = arith.muli %arg1, %mul3A_69 : i32
    "tpu.region"() ({
      %run_scoped3A = tpu.sem_alloc : memref<!tpu.dma_semaphore, #tpu.memory_space<semaphore_mem>>
      %dma_start3A_71 = arith.constant 0 : i32
      %dma_start3A_72 = tpu.memref_slice %arg5[%arg0, %mul3A_70, %dma_start3A_71] : memref<2x10240x128xf32, #tpu.memory_space<hbm>> -> memref<1x640x128xf32, #tpu.memory_space<hbm>>
      %dma_start3A_73 = tpu.memref_squeeze %dma_start3A_72 : memref<1x640x128xf32, #tpu.memory_space<hbm>> -> memref<640x128xf32, #tpu.memory_space<hbm>>
      %dma_start3A_74 = arith.constant 0 : i32
      %dma_start3A_75 = tpu.memref_slice %arg9[%mul3A_68, %dma_start3A_74] : memref<10240x128xf32, #tpu.memory_space<vmem_shared>> -> memref<640x128xf32, #tpu.memory_space<vmem_shared>>
      tpu.enqueue_dma source(%dma_start3A_75 : memref<640x128xf32, #tpu.memory_space<vmem_shared>>) target(%dma_start3A_73 : memref<640x128xf32, #tpu.memory_space<hbm>>) target_semaphore(%run_scoped3A : memref<!tpu.dma_semaphore, #tpu.memory_space<semaphore_mem>>)
      %dma_wait3A_76 = arith.constant 0 : i32
      %dma_wait3A_77 = tpu.memref_slice %arg5[%arg0, %mul3A_70, %dma_wait3A_76] : memref<2x10240x128xf32, #tpu.memory_space<hbm>> -> memref<1x640x128xf32, #tpu.memory_space<hbm>>
      %dma_wait3A_78 = tpu.memref_squeeze %dma_wait3A_77 : memref<1x640x128xf32, #tpu.memory_space<hbm>> -> memref<640x128xf32, #tpu.memory_space<hbm>>
      %dma_wait3A_79 = arith.constant 0 : i32
      %dma_wait3A_80 = tpu.memref_slice %arg9[%mul3A_68, %dma_wait3A_79] : memref<10240x128xf32, #tpu.memory_space<vmem_shared>> -> memref<640x128xf32, #tpu.memory_space<vmem_shared>>
      tpu.wait_dma2 semaphore(%run_scoped3A : memref<!tpu.dma_semaphore, #tpu.memory_space<semaphore_mem>>) src(%dma_wait3A_80 : memref<640x128xf32, #tpu.memory_space<vmem_shared>>) dst(%dma_wait3A_78 : memref<640x128xf32, #tpu.memory_space<hbm>>)
      tpu.yield
    }) : () -> ()
    return
  }
}

module attributes {stable_mosaic.version = 14 : i64} {
  func.func @_h_body(%arg0: i32, %arg1: memref<256x128xf32, #tpu.memory_space<vmem>>, %arg2: memref<256x2xf32, #tpu.memory_space<vmem>>, %arg3: memref<2x256x128xf32, #tpu.memory_space<vmem>>) attributes {dimension_semantics = [#tpu.dimension_semantics<arbitrary>], iteration_bounds = array<i64: 40>, scalar_prefetch = 0 : i64, scratch_operands = 0 : i64, tpu.core_type = #tpu.core_type<tc>, window_params = [{transform_indices = @transform_0, window_bounds = array<i64: 256, 128>}, {transform_indices = @transform_1, window_bounds = array<i64: 256, 2>}, {transform_indices = @transform_2, window_bounds = array<i64: 2, 256, 128>}]} {
    %get3A = arith.constant 0 : index
    %get3A_0 = arith.constant 0 : index
    %get3A_1 = vector.load %arg2[%get3A, %get3A_0] : memref<256x2xf32, #tpu.memory_space<vmem>>, vector<256x1xf32>
    %get3A_2 = arith.constant 0 : index
    %get3A_3 = arith.constant 1 : index
    %get3A_4 = vector.load %arg2[%get3A_2, %get3A_3] : memref<256x2xf32, #tpu.memory_space<vmem>>, vector<256x1xf32>
    %add3A = arith.addf %get3A_1, %get3A_4 : vector<256x1xf32>
    %gt3A = arith.constant 0.000000e+00 : f32
    %gt3A_5 = vector.broadcast %gt3A : f32 to vector<256x1xf32>
    %gt3A_6 = arith.cmpf ogt, %add3A, %gt3A_5 : vector<256x1xf32>
    %rsqrt3A = math.rsqrt %add3A : vector<256x1xf32>
    %jit3A = arith.constant 1.000000e+00 : f32
    %broadcast_in_dim3A = vector.broadcast %jit3A : f32 to vector<256x1xf32>
    %select_n3A = arith.select %gt3A_6, %rsqrt3A, %broadcast_in_dim3A : vector<256x1xi1>, vector<256x1xf32>
    %get3A_7 = arith.constant 0 : index
    %get3A_8 = arith.constant 0 : index
    %get3A_9 = vector.load %arg1[%get3A_7, %get3A_8] : memref<256x128xf32, #tpu.memory_space<vmem>>, vector<256x128xf32>
    %mul3A = vector.broadcast %select_n3A : vector<256x1xf32> to vector<256x128xf32>
    %mul3A_10 = arith.mulf %get3A_9, %mul3A : vector<256x128xf32>
    %swap3A = arith.constant 0 : index
    %swap3A_11 = arith.constant 0 : index
    %swap3A_12 = arith.constant 0 : index
    %swap3A_13 = vector.load %arg3[%swap3A, %swap3A_11, %swap3A_12] : memref<2x256x128xf32, #tpu.memory_space<vmem>>, vector<1x256x128xf32>
    %swap3A_14 = vector.shape_cast %swap3A_13 : vector<1x256x128xf32> to vector<256x128xf32>
    %swap3A_15 = vector.shape_cast %mul3A_10 : vector<256x128xf32> to vector<1x256x128xf32>
    tpu.vector_store %arg3[%swap3A, %swap3A_11, %swap3A_12], %swap3A_15 {strides = array<i32>} : memref<2x256x128xf32, #tpu.memory_space<vmem>>, vector<1x256x128xf32>,
    %swap3A_16 = arith.constant 1 : index
    %swap3A_17 = arith.constant 0 : index
    %swap3A_18 = arith.constant 0 : index
    %swap3A_19 = vector.load %arg3[%swap3A_16, %swap3A_17, %swap3A_18] : memref<2x256x128xf32, #tpu.memory_space<vmem>>, vector<1x256x128xf32>
    %swap3A_20 = vector.shape_cast %swap3A_19 : vector<1x256x128xf32> to vector<256x128xf32>
    %swap3A_21 = vector.shape_cast %mul3A_10 : vector<256x128xf32> to vector<1x256x128xf32>
    tpu.vector_store %arg3[%swap3A_16, %swap3A_17, %swap3A_18], %swap3A_21 {strides = array<i32>} : memref<2x256x128xf32, #tpu.memory_space<vmem>>, vector<1x256x128xf32>,
    return
  }
  func.func @transform_0(%arg0: i32) -> (i32, i32) {
    %c0_i32 = arith.constant 0 : i32
    %c0_i32_0 = arith.constant 0 : i32
    return %arg0, %c0_i32 : i32, i32
  }
  func.func @transform_1(%arg0: i32) -> (i32, i32) {
    %c0_i32 = arith.constant 0 : i32
    %c0_i32_0 = arith.constant 0 : i32
    return %arg0, %c0_i32 : i32, i32
  }
  func.func @transform_2(%arg0: i32) -> (i32, i32, i32) {
    %c0_i32 = arith.constant 0 : i32
    %c0_i32_0 = arith.constant 0 : i32
    %c0_i32_1 = arith.constant 0 : i32
    return %c0_i32, %arg0, %c0_i32_0 : i32, i32, i32
  }
}

module attributes {stable_mosaic.version = 14 : i64} {
  func.func @_finish_body(%arg0: i32, %arg1: memref<2x400x128xf32, #tpu.memory_space<vmem>>, %arg2: memref<400x2xf32, #tpu.memory_space<vmem>>, %arg3: memref<128x128xf32, #tpu.memory_space<vmem>>, %arg4: memref<1x128xf32, #tpu.memory_space<vmem>>, %arg5: memref<400x128xf32, #tpu.memory_space<vmem>>) attributes {dimension_semantics = [#tpu.dimension_semantics<arbitrary>], iteration_bounds = array<i64: 25>, scalar_prefetch = 0 : i64, scratch_operands = 0 : i64, tpu.core_type = #tpu.core_type<tc>, window_params = [{transform_indices = @transform_0, window_bounds = array<i64: 2, 400, 128>}, {transform_indices = @transform_1, window_bounds = array<i64: 400, 2>}, {pipeline_mode = #tpu.pipeline_mode<synchronous>, transform_indices = @transform_2, window_bounds = array<i64: 128, 128>}, {pipeline_mode = #tpu.pipeline_mode<synchronous>, transform_indices = @transform_3, window_bounds = array<i64: 1, 128>}, {transform_indices = @transform_4, window_bounds = array<i64: 400, 128>}]} {
    %get3A = arith.constant 0 : index
    %get3A_0 = arith.constant 0 : index
    %get3A_1 = arith.constant 0 : index
    %get3A_2 = vector.load %arg1[%get3A, %get3A_0, %get3A_1] : memref<2x400x128xf32, #tpu.memory_space<vmem>>, vector<1x400x128xf32>
    %get3A_3 = vector.shape_cast %get3A_2 : vector<1x400x128xf32> to vector<400x128xf32>
    %get3A_4 = arith.constant 1 : index
    %get3A_5 = arith.constant 0 : index
    %get3A_6 = arith.constant 0 : index
    %get3A_7 = vector.load %arg1[%get3A_4, %get3A_5, %get3A_6] : memref<2x400x128xf32, #tpu.memory_space<vmem>>, vector<1x400x128xf32>
    %get3A_8 = vector.shape_cast %get3A_7 : vector<1x400x128xf32> to vector<400x128xf32>
    %add3A = arith.addf %get3A_3, %get3A_8 : vector<400x128xf32>
    %get3A_9 = arith.constant 0 : index
    %get3A_10 = arith.constant 0 : index
    %get3A_11 = vector.load %arg2[%get3A_9, %get3A_10] : memref<400x2xf32, #tpu.memory_space<vmem>>, vector<400x1xf32>
    %get3A_12 = arith.constant 0 : index
    %get3A_13 = arith.constant 1 : index
    %get3A_14 = vector.load %arg2[%get3A_12, %get3A_13] : memref<400x2xf32, #tpu.memory_space<vmem>>, vector<400x1xf32>
    %add3A_15 = arith.addf %get3A_11, %get3A_14 : vector<400x1xf32>
    %gt3A = arith.constant 0.000000e+00 : f32
    %gt3A_16 = vector.broadcast %gt3A : f32 to vector<400x1xf32>
    %gt3A_17 = arith.cmpf ogt, %add3A_15, %gt3A_16 : vector<400x1xf32>
    %rsqrt3A = math.rsqrt %add3A_15 : vector<400x1xf32>
    %jit3A = arith.constant 1.000000e+00 : f32
    %broadcast_in_dim3A = vector.broadcast %jit3A : f32 to vector<400x1xf32>
    %select_n3A = arith.select %gt3A_17, %rsqrt3A, %broadcast_in_dim3A : vector<400x1xi1>, vector<400x1xf32>
    %mul3A = vector.broadcast %select_n3A : vector<400x1xf32> to vector<400x128xf32>
    %mul3A_18 = arith.mulf %add3A, %mul3A : vector<400x128xf32>
    %get3A_19 = arith.constant 0 : index
    %get3A_20 = arith.constant 0 : index
    %get3A_21 = vector.load %arg3[%get3A_19, %get3A_20] : memref<128x128xf32, #tpu.memory_space<vmem>>, vector<128x128xf32>
    %dot_general3A = arith.constant dense<0.000000e+00> : vector<400x128xf32>
    %dot_general3A_22 = tpu.matmul %mul3A_18, %get3A_21, %dot_general3A {dimension_numbers = #tpu.dot_dimension_numbers<[1], [0], [0], [1], [0, 0, 1, 1], [], []>, transpose_lhs_hint = false} : vector<400x128xf32>, vector<128x128xf32>, vector<400x128xf32> -> vector<400x128xf32>
    %get3A_23 = arith.constant 0 : index
    %get3A_24 = arith.constant 0 : index
    %get3A_25 = vector.load %arg4[%get3A_23, %get3A_24] : memref<1x128xf32, #tpu.memory_space<vmem>>, vector<1x128xf32>
    %add3A_26 = vector.broadcast %get3A_25 : vector<1x128xf32> to vector<400x128xf32>
    %add3A_27 = arith.addf %dot_general3A_22, %add3A_26 : vector<400x128xf32>
    %swap3A = arith.constant 0 : index
    %swap3A_28 = arith.constant 0 : index
    %swap3A_29 = vector.load %arg5[%swap3A, %swap3A_28] : memref<400x128xf32, #tpu.memory_space<vmem>>, vector<400x128xf32>
    tpu.vector_store %arg5[%swap3A, %swap3A_28], %add3A_27 {strides = array<i32>} : memref<400x128xf32, #tpu.memory_space<vmem>>, vector<400x128xf32>,
    return
  }
  func.func @transform_0(%arg0: i32) -> (i32, i32, i32) {
    %c0_i32 = arith.constant 0 : i32
    %c0_i32_0 = arith.constant 0 : i32
    %c0_i32_1 = arith.constant 0 : i32
    return %c0_i32, %arg0, %c0_i32_0 : i32, i32, i32
  }
  func.func @transform_1(%arg0: i32) -> (i32, i32) {
    %c0_i32 = arith.constant 0 : i32
    %c0_i32_0 = arith.constant 0 : i32
    return %arg0, %c0_i32 : i32, i32
  }
  func.func @transform_2(%arg0: i32) -> (i32, i32) {
    %c0_i32 = arith.constant 0 : i32
    %c0_i32_0 = arith.constant 0 : i32
    %c0_i32_1 = arith.constant 0 : i32
    return %c0_i32, %c0_i32_0 : i32, i32
  }
  func.func @transform_3(%arg0: i32) -> (i32, i32) {
    %c0_i32 = arith.constant 0 : i32
    %c0_i32_0 = arith.constant 0 : i32
    %c0_i32_1 = arith.constant 0 : i32
    return %c0_i32, %c0_i32_0 : i32, i32
  }
  func.func @transform_4(%arg0: i32) -> (i32, i32) {
    %c0_i32 = arith.constant 0 : i32
    %c0_i32_0 = arith.constant 0 : i32
    return %arg0, %c0_i32 : i32, i32
  }
}

</mosaic_0001>

<sc_bundles>
// kernel: kernel.6.cloned.1.call-start
scs
__scs_entry_jumppad:
0x0: {  	(pc) =	sbr.rel $0x88, $3  }
0x1: {  	(tag) =	ssettag $0x0;
	lr =	simm.s32 $0x1  }
0x2: {  	[smem:$0x3F9D] =	sst lr;
	_ =	strace $0xD0000000  }
0x3: {  	_ = 	snop  }
0x4: {  	_ = 	snop  }
0x5: {  	_ = 	snop  }
0x6: {  	_ = 	snop  }
0x7: {  	_ = 	snop  }
__scs_overlays_trampoline_lowered:
0x8: {  	[smem:$0x3FAC] =	sst s0  }
0x9: {  	[smem:$0x3FAD] =	sst s1  }
0xa: {  	[smem:$0x3FAE] =	sst s2  }
0xb: {  	[smem:$0x3FAF] =	sst s3  }
0xc: {  	[smem:$0x3FB0] =	sst s4  }
0xd: {  	[smem:$0x3FB1] =	sst s5  }
0xe: {  	[smem:$0x3FB2] =	sst s6  }
0xf: {  	[smem:$0x3FB3] =	sst s7  }
0x10: {  	[smem:$0x3FB4] =	sst s8  }
0x11: {  	[smem:$0x3FB5] =	sst s9;
	s0 =	simm.s32 @!p0 $0x0  }
0x12: {  	s1 =	sld [smem:$0x3F9B];
	s0 =	simm.s32 @p0 $0x1  }
0x13: {  	[smem:$0x3FB6] =	sst s0;
	s0 =	simm.s32 @!p1 $0x0  }
0x14: {  	s2 =	sld [smem:$0x3F9A];
	s0 =	simm.s32 @p1 $0x1  }
0x15: {  	[smem:$0x3FB7] =	sst s0;
	s0 =	simm.s32 @!p2 $0x0  }
0x16: {  	s3 =	sld [smem:$0x3FDB];
	s0 =	simm.s32 @p2 $0x1  }
0x17: {  	s4 =	simm.s32 $0x1BF5;
	[smem:$0x3FB9] =	sst s0  }
0x18: {  	s0 =	sld [smem:$0x3F9C];
	_ =	swait.ge [sflag:s4], $0x0  }
0x19: {  	s7 =	sld [smem:$0x3F9D]  }
0x1a: {  	s8 =	sadd.s32 $0xFFFFE003, lr  }
0x1b: {  	s9 =	sadd.s32 $0xFFFFFEF7, lr;
	s5 =	simm.s32 $0xFFFFFFFF;
	p2 =	slt.u32 s8, $0xFFFFF086  }
0x1c: {  	p1 =	slt.u32 s9, $0xF7A;
	s5 =	simm.s32 @!p2 $0x0  }
0x1d: {  	s5 =	simm.s32 @p1 $0x1;
	p0 =	seq.s32 s7, s2  }
0x1e: {  	s7 =	smul.u32 @!p0 $0xF7A, s2;
	p2 =	seq.s32 @!p0 s5, $0x0  }
0x1f: {  	s9 =	smul.u32 $0xF7A, s1;
	s8 =	simm.s32 @!p0 $0x1BF5;
	p2 =	por !p2, p0  }
0x20: {  	[sflag:s8] =	ssyncset.s32 @!p0 $0xFFFFF086;
	s6 =	sadd.s32 @!p0 s3, s7;
	s7 =	simm.s32 @!p0 $0x108  }
0x21: {  	s3 =	sadd.s32 s3, s9;
	s6 =	sadd.s32 @!p0 $0x88, s6;
	s7 =	simm.s32 @p2 $0x1082  }
0x22: {  	[simem:s7], [sflag:s8] =	dma.local @!p0 [hbm:s6], $0xF7A  }
0x23: {  	s9 =	sor.u32 $0xD0000000, s2;
	s6 =	simm.s32 $0x108;
	_ =	swait.ge @!p0 [sflag:s8], $0x0  }
0x24: {  	s3 =	sadd.s32 $0x88, s3;
	s6 =	simm.s32 @!p1 $0x1082;
	[sflag:s4] =	ssyncset.s32 $0xFFFFF086  }
0x25: {  	[simem:s6], [sflag:s4] =	dma.local [hbm:s3], $0xF7A  }
0x26: {  	[smem:$0x3F9D] =	sst s1;
	(tag) =	ssettag s2;
	_ =	strace s9  }
0x27: {  	s1 =	sld [smem:$0x3FAD]  }
0x28: {  	s2 =	sld [smem:$0x3FAE]  }
0x29: {  	s4 =	sld [smem:$0x3FB0]  }
0x2a: {  	p0 =	seq.s32 s5, $0x0;
	s5 =	sld [smem:$0x3FB1]  }
0x2b: {  	s6 =	sld [smem:$0x3FB2]  }
0x2c: {  	s7 =	sld [smem:$0x3FB3]  }
0x2d: {  	s3 =	simm.s32 $0x108;
	s8 =	sld [smem:$0x3FB4]  }
0x2e: {  	s3 =	simm.s32 @!p0 $0x1082;
	s9 =	sld [smem:$0x3FB5]  }
0x2f: {  	lr =	sadd.s32 s0, s3;
	s0 =	sld [smem:$0x3FAC]  }
0x30: {  	s3 =	sld [smem:$0x3FAF]  }
0x31: {  	[smem:$0x3FB8] =	sst s10  }
0x32: {  	s10 =	sld [smem:$0x3FB6];
	_ =	sdelay $0x3  }
0x33: {  	p0 =	seq.s32 s10, $0x1;
	s10 =	sld [smem:$0x3FB8];
	_ =	sdelay $0x3  }
0x34: {  	[smem:$0x3FB8] =	sst s10  }
0x35: {  	s10 =	sld [smem:$0x3FB7];
	_ =	sdelay $0x3  }
0x36: {  	p1 =	seq.s32 s10, $0x1;
	s10 =	sld [smem:$0x3FB8];
	_ =	sdelay $0x3  }
0x37: {  	[smem:$0x3FB8] =	sst s10  }
0x38: {  	s10 =	sld [smem:$0x3FB9]  }
0x39: {  	_ = 	snop;
	(pc) =	sbr.ind lr, $3  }
0x3a: {  	_ = 	snop  }
0x3b: {  	_ = 	snop  }
0x3c: {  	p2 =	seq.s32 s10, $0x1;
	s10 =	sld [smem:$0x3FB8]  }
0x3d: {  	_ =	shalt  }
0x3e: {  	_ =	shalt  }
0x3f: {  	_ =	shalt  }
0x40: {  	_ =	shalt  }
0x41: {  	_ =	shalt  }
0x42: {  	_ =	shalt  }
0x43: {  	_ =	shalt  }
0x44: {  	_ =	shalt  }
0x45: {  	_ =	shalt  }
0x46: {  	_ =	shalt  }
0x47: {  	_ =	shalt  }
0x48: {  	_ =	shalt  }
0x49: {  	_ =	shalt  }
0x4a: {  	_ =	shalt  }
0x4b: {  	_ =	shalt  }
0x4c: {  	_ =	shalt  }
0x4d: {  	_ =	shalt  }
0x4e: {  	_ =	shalt  }
0x4f: {  	_ =	shalt  }
0x50: {  	_ =	shalt  }
0x51: {  	_ =	shalt  }
0x52: {  	_ =	shalt  }
0x53: {  	_ =	shalt  }
0x54: {  	_ =	shalt  }
0x55: {  	_ =	shalt  }
0x56: {  	_ =	shalt  }
0x57: {  	_ =	shalt  }
0x58: {  	_ =	shalt  }
0x59: {  	_ =	shalt  }
0x5a: {  	_ =	shalt  }
0x5b: {  	_ =	shalt  }
0x5c: {  	_ =	shalt  }
0x5d: {  	_ =	shalt  }
0x5e: {  	_ =	shalt  }
0x5f: {  	_ =	shalt  }
0x60: {  	_ =	shalt  }
0x61: {  	_ =	shalt  }
0x62: {  	_ =	shalt  }
0x63: {  	_ =	shalt  }
0x64: {  	_ =	shalt  }
0x65: {  	_ =	shalt  }
0x66: {  	_ =	shalt  }
0x67: {  	_ =	shalt  }
0x68: {  	_ =	shalt  }
0x69: {  	_ =	shalt  }
0x6a: {  	_ =	shalt  }
0x6b: {  	_ =	shalt  }
0x6c: {  	_ =	shalt  }
0x6d: {  	_ =	shalt  }
0x6e: {  	_ =	shalt  }
0x6f: {  	_ =	shalt  }
0x70: {  	_ =	shalt  }
0x71: {  	_ =	shalt  }
0x72: {  	_ =	shalt  }
0x73: {  	_ =	shalt  }
0x74: {  	_ =	shalt  }
0x75: {  	_ =	shalt  }
0x76: {  	_ =	shalt  }
0x77: {  	_ =	shalt  }
0x78: {  	_ =	shalt  }
0x79: {  	_ =	shalt  }
0x7a: {  	_ =	shalt  }
0x7b: {  	_ =	shalt  }
0x7c: {  	_ =	shalt  }
0x7d: {  	_ =	shalt  }
0x7e: {  	_ =	shalt  }
0x7f: {  	_ =	shalt  }
0x80: {  	_ =	shalt  }
0x81: {  	_ =	shalt  }
0x82: {  	_ =	shalt  }
0x83: {  	_ =	shalt  }
0x84: {  	_ =	shalt  }
0x85: {  	_ =	shalt  }
0x86: {  	_ =	shalt  }
0x87: {  	_ =	shalt  }
.Lfunc_end0:
.L_simem_size_0:
called_computation_lowered:
.L_overlay_start_0:
0x88: {  	s2 =	sld [smem:$0x3FD9]  }
0x89: {  	s3 =	sld [smem:$0x3FFE];
	_ =	sdelay $0x1  }
0x8a: {  	s1 =	srdreg.scid  }
0x8b: {  	s0 =	sand.u32 $0x1, s1  }
0x8c: {  	s16 =	sshll.u32 s0, $0xA;
	s2 =	sadd.s32 s3, s2  }
0x8d: {  	s2 =	sadd.s32 s2, s16  }
0x8e: {  	[smem:$0x3FC4] =	sst s2  }
0x8f: {  	_ = 	snop  }
0x90: {  	(tm) =	ssettm $0x1  }
0x91: {  	s17 =	sld [smem:$0x3FFB];
	_ =	sdelay $0x3  }
0x92: {  	_ =	strace s17  }
0x93: {  	s2 =	sld [smem:$0x3FFC];
	_ =	sdelay $0x3  }
0x94: {  	_ =	strace s2  }
0x95: {  	s2 =	sld [smem:$0x3FFD];
	_ =	sdelay $0x3  }
0x96: {  	_ =	strace s2  }
0x97: {  	_ =	strace $0x8FFFFFFF  }
0x98: {  	s18 =	sld [smem:$0x3FDB];
	_ =	sdelay $0x1  }
0x99: {  	s19 =	simm.s32 $_scs_section_size  }
0x9a: {  	s4 =	simm.s32 $_size__tile_overlayer_lowered;
	s5 =	simm.s32 $_tile_overlayer_lowered  }
0x9b: {  	s22 =	simm.s32 $0x1BFF;
	s21 =	sshll.u32 s5, $0x1;
	s2 =	sadd.s32 s19, s18  }
0x9c: {  	s6 =	simm.s32 $0x0;
	s20 =	sshll.u32 s4, $0x1;
	s4 =	sadd.s32 s21, s2  }
0x9d: {  	[timem:s6], [sflag:s22] =	dma.local [hbm:s4], s20  }
0x9e: {  	_ =	swait.ge [sflag:s22], s20  }
0x9f: {  	s3 =	ssub.s32 $0x0, s20;
	[sflag:s22] =	ssyncset.done $0x0  }
0xa0: {  	[sflag:s22] =	ssyncadd.s32 s3;
	_ =	sdelay $0x1  }
0xa1: {  	s23 =	simm.s32 $0x1B8B  }
0xa2: {  	_ =	swait.ge [sflag:s23], $0x1  }
0xa3: {  	[sflag:s23] =	ssyncset.done $0x0  }
0xa4: {  	s25 =	simm.s32 $0x1B8E;
	s24 =	sld [smem:$0x3FFE];
	[sflag:s23] =	ssyncadd.s32 $0xFFFFFFFF  }
0xa5: {  	s26 =	simm.s32 $execute0_lowered;
	[smem:$0x3FD2] =	sst s25  }
0xa6: {  	s4 =	sshll.u32 s26, $0x1;
	_ =	strace $0x80000046;
	[dreg:$0x1] =	wrdreg $0xFFFFFFFF  }
0xa7: {  	s28 =	simm.s32 $_size_execute0_lowered;
	s2 =	sadd.s32 s2, s4;
	[dreg:$0x0] =	wrdreg $0x0  }
0xa8: {  	s4 =	sshll.u32 s28, $0x1;
	[dreg:$0x2] =	wrdreg s2  }
0xa9: {  	[dreg:$0x3] =	wrdreg s4  }
0xaa: {  	[dreg:$0x4] =	wrdreg $0xC0  }
0xab: {  	_ =	task [dreg:s6], $0x5FFFF  }
0xac: {  	[dreg:$0x1] =	wrdreg $0xFFFFFFFF  }
0xad: {  	[dreg:$0x0] =	wrdreg $0x60  }
0xae: {  	[dreg:$0x2] =	wrdreg s24  }
0xaf: {  	[dreg:$0x3] =	wrdreg $0x53000  }
0xb0: {  	[dreg:$0x4] =	wrdreg $0x55800  }
0xb1: {  	[dreg:$0x5] =	wrdreg $0x9  }
0xb2: {  	_ =	task.clear_ibuf [dreg:s6], $0x6FFFF;
	_ =	strace $0x90000046  }
0xb3: {  	s29 =	simm.s32 $0x9;
	_ =	strace $0x80000048  }
0xb4: {  	_ =	swait.ge [sflag:s29], $0x1  }
0xb5: {  	[sflag:s29] =	ssyncadd.s32 $0xFFFFFFFF  }
0xb6: {  	_ =	strace $0x90000048  }
0xb7: {  	_ =	sfence  }
0xb8: {  	s30 =	sld [smem:$0x0];
	_ =	sdelay $0x2  }
0xb9: {  	s31 =	sshll.u32 s1, $0xD;
	s1 =	sshrl.u32 s1, $0x2  }
0xba: {  	s3 =	sand.u32 $0x4000, s31;
	s1 =	sadd.s32 s1, s30  }
0xbb: {  	s0 =	sor.u32 s3, s0;
	s1 =	sshll.u32 s1, $0x11  }
0xbc: {  	s0 =	sor.u32 s1, s0  }
0xbd: {  	s0 =	sadd.s32 $0x8F2B, s0  }
0xbe: {  	[sflag:s0] =	ssyncadd.remote.s32 $0x1  }
0xbf: {  	_ =	sfence.sel $0xFFFF  }
0xc0: {  	[dreg:$0x0] =	wrdreg $0xFFFFFFFF;
	(pc) =	sbr.abs _section_cstart, $3  }
0xc1: {  	[dreg:$0x1] =	wrdreg $0xFFFFFFFF  }
0xc2: {  	_ =	task.clear_ibuf [dreg:s6], $0x2FFFF;
	_ =	strace $0x9FFFFFFF  }
0xc3: {  	(tm) =	ssettm $0x7FFFFFFF  }
tec
execute0_lowered:
.L_overlay_start_1:
0x0: {  	(tag) =	ssettag $0x1  }
0x1: {  	s5 =	rddreg [dreg:$0x0]  }
0x2: {  	s1 =	rddreg [dreg:$0x1]  }
0x3: {  	s2 =	rddreg [dreg:$0x2]  }
0x4: {  	s3 =	srdreg.scid;
	s0 =	rddreg [dreg:$0x3];
	s4 =	simm.s32 $0x0  }
0x5: {  	s13 =	simm.s32 $0x1;
	s14 =	simm.s32 $0x2800;
	s15 =	simm.s32 $0x80  }
0x6: {  	s16 =	simm.s32 $0x5000;
	s19 =	simm.s32 $0x20;
	s20 =	simm.s32 $0x10  }
0x7: {  	s22 =	simm.s32 $0x0;
	s6 =	sand.u32 $0x1, s3;
	s3 =	stileid.u32  }
0x8: {  	[smem:$0x7FF] =	sst s4;
	s7 =	sshll.u32 s6, $0x4;
	s8 =	smul.u32 $0x5000, s6  }
0x9: {  	s9 =	smul.u32 $0x500, s3;
	_ =	strace $0x80000047;
	s6 =	ssub.s32 $0x2, s6  }
0xa: {  	s29 =	smul.u32 $0x280, s3;
	s17 =	sshll.u32 s3, $0x6;
	s7 =	sor.u32 s3, s7  }
0xb: {  	s31 =	sshrl.u32 s6, $0x1;
	s17 =	sor.u32 $0x1C01, s17;
	s7 =	smul.u32 $0x500, s7  }
0xc: {  	s8 =	sadd.s32 s9, s8;
	s12 =	ssub.s32 s6, s31;
	s6 =	sadd.s32 s29, s2  }
0xd: {  	s30 =	sshrl.u32 s8, $0x3;
	s21 =	sshrl.u32 s6, $0x3;
	s10 =	sadd.s32 s7, s5  }
0xe: {  	s11 =	sadd.s32 s30, s5;
	s5 =	sadd.s32 s29, s1;
	s7 =	sadd.s32 $0xAE00, s10  }
0xf: {  	s8 =	sadd.s32 $0xE00, s10;
	s9 =	sadd.s32 $0x14E00, s11;
	s10 =	sadd.s32 $0x14E10, s11  }
0x10: {  	v0 =	vimm.f32 $1.000000000e+00;
	v1 =	vimm.f32 $0.0e+00;
	s11 =	smax.u32 s12, $0x1;
	s12 =	simm.s32 $0x5080;
	s18 =	sshrl.u32 s5, $0x3  }
.LBB2_1:
0x11: {  	[tilespmem:$0x5000] =	vst v0  }
0x12: {  	[tilespmem:$0x5010] =	vst v0  }
0x13: {  	[tilespmem:$0x5020] =	vst v0  }
0x14: {  	[tilespmem:$0x5030] =	vst v0  }
0x15: {  	[tilespmem:$0x5040] =	vst v0  }
0x16: {  	[tilespmem:$0x5050] =	vst v0  }
0x17: {  	[tilespmem:$0x5060] =	vst v0  }
0x18: {  	[tilespmem:$0x5070] =	vst v0  }
0x19: {  	[tilespmem:$0x5080] =	vst v1  }
0x1a: {  	[tilespmem:$0x5090] =	vst v1  }
0x1b: {  	[tilespmem:$0x50A0] =	vst v1  }
0x1c: {  	[tilespmem:$0x50B0] =	vst v1  }
0x1d: {  	[tilespmem:$0x50C0] =	vst v1  }
0x1e: {  	[tilespmem:$0x50D0] =	vst v1  }
0x1f: {  	[tilespmem:$0x50E0] =	vst v1  }
0x20: {  	[tilespmem:$0x50F0] =	vst v1  }
0x21: {  	[tilespmem:$0x5100] =	vst v1  }
0x22: {  	[tilespmem:$0x5110] =	vst v1  }
0x23: {  	[tilespmem:$0x5120] =	vst v1  }
0x24: {  	[tilespmem:$0x5130] =	vst v1  }
0x25: {  	[tilespmem:$0x5140] =	vst v1  }
0x26: {  	[tilespmem:$0x5150] =	vst v1  }
0x27: {  	[tilespmem:$0x5160] =	vst v1  }
0x28: {  	[tilespmem:$0x5170] =	vst v1  }
0x29: {  	[tilespmem:$0x5180] =	vst v1  }
0x2a: {  	[tilespmem:$0x5190] =	vst v1  }
0x2b: {  	[tilespmem:$0x51A0] =	vst v1  }
0x2c: {  	[tilespmem:$0x51B0] =	vst v1  }
0x2d: {  	[tilespmem:$0x51C0] =	vst v1  }
0x2e: {  	[tilespmem:$0x51D0] =	vst v1  }
0x2f: {  	[tilespmem:$0x51E0] =	vst v1  }
0x30: {  	[tilespmem:$0x51F0] =	vst v1  }
0x31: {  	[tilespmem:$0x5200] =	vst v1  }
0x32: {  	[tilespmem:$0x5210] =	vst v1  }
0x33: {  	[tilespmem:$0x5220] =	vst v1  }
0x34: {  	[tilespmem:$0x5230] =	vst v1  }
0x35: {  	[tilespmem:$0x5240] =	vst v1  }
0x36: {  	[tilespmem:$0x5250] =	vst v1  }
0x37: {  	[tilespmem:$0x5260] =	vst v1  }
0x38: {  	[tilespmem:$0x5270] =	vst v1  }
0x39: {  	[tilespmem:$0x5280] =	vst v1  }
0x3a: {  	[tilespmem:$0x5290] =	vst v1  }
0x3b: {  	[tilespmem:$0x52A0] =	vst v1  }
0x3c: {  	[tilespmem:$0x52B0] =	vst v1  }
0x3d: {  	[tilespmem:$0x52C0] =	vst v1  }
0x3e: {  	[tilespmem:$0x52D0] =	vst v1  }
0x3f: {  	[tilespmem:$0x52E0] =	vst v1  }
0x40: {  	[tilespmem:$0x52F0] =	vst v1  }
0x41: {  	[spmem:s5] =	stream.linear.scatter [tilespmem:s12], [sflag:$0x1], $0x280, $0x38;
	[tilespmem:$0x5800] =	vst v63  }
0x42: {  	_ =	swait.ge [sflag:s13], $0x280  }
0x43: {  	[sflag:s13] =	ssyncset.done $0x0  }
0x44: {  	[sflag:s13] =	ssyncadd.s32 $0xFFFFFD80  }
0x45: {  	[spmem:s6] =	stream.linear.scatter [tilespmem:s12], [sflag:$0x1], $0x280, $0x38;
	[tilespmem:$0x5800] =	vst v63  }
0x46: {  	_ =	swait.ge [sflag:s13], $0x280  }
0x47: {  	[sflag:s13] =	ssyncset.done $0x0  }
0x48: {  	[sflag:s13] =	ssyncadd.s32 $0xFFFFFD80  }
0x49: {  	[bflag:$0x0] =	sbarrier.arrive $0xFFFF  }
0x4a: {  	[tilespmem:s4], [sflag:$0x1] =	stream.linear.gather [hbm4b:s7+s4], $0x2800, $0x38;
	[tilespmem:$0x5800] =	vst v63  }
0x4b: {  	_ =	swait.ge [sflag:s13], $0x2800  }
0x4c: {  	[sflag:s13] =	ssyncset.done $0x0  }
0x4d: {  	[sflag:s13] =	ssyncadd.s32 $0xFFFFD800  }
0x4e: {  	[tilespmem:s14], [sflag:$0x1] =	stream.linear.gather [hbm4b:s8+s4], $0x2800, $0x38;
	[tilespmem:$0x5800] =	vst v63  }
0x4f: {  	_ =	swait.ge [sflag:s13], $0x2800  }
0x50: {  	[sflag:s13] =	ssyncset.done $0x0  }
0x51: {  	s23 =	simm.s32 $0x0;
	[sflag:s13] =	ssyncadd.s32 $0xFFFFD800  }
0x52: {  	[spmem:s1] =	stream.indirect.scatter.add.f32 [tilespmem:s16], [sflag:$0x1], $0x1, s23, s15, $0xb8;
	[tilespmem:$0x5800] =	vst v63  }
0x53: {  	_ =	swait.ge [sflag:s13], $0x80  }
0x54: {  	[sflag:s13] =	ssyncset.done $0x0  }
0x55: {  	s31 =	simm.s32 $0x2800;
	[sflag:s13] =	ssyncadd.s32 $0xFFFFFF80  }
0x56: {  	[spmem:s2] =	stream.indirect.scatter.add.f32 [tilespmem:s16], [sflag:$0x1], $0x1, s31, s15, $0xb8;
	[tilespmem:$0x5800] =	vst v63  }
0x57: {  	_ =	swait.ge [sflag:s13], $0x80  }
0x58: {  	s24 =	simm.s32 $0x400;
	s23 =	simm.s32 $0x200;
	[sflag:s13] =	ssyncset.done $0x0  }
.LBB2_2:
0x59: {  	s25 =	sshra.s32 s23, $0x2  }
0x5a: {  	[sflag:s13] =	ssyncadd.s32 $0xFFFFFF80;
	s23 =	smov.u32 s24;
	s26 =	sadd.s32 $0x200, s24  }
0x5b: {  	[spmem:s1] =	stream.indirect.scatter.add.f32 [tilespmem:s16], [sflag:$0x1], $0x1, s25, s15, $0xb8;
	[tilespmem:$0x5800] =	vst v63  }
0x5c: {  	p0 =	sne.s32 s24, $0x9E00;
	_ =	swait.ge [sflag:s13], $0x80  }
.Ltmp0:
0x5d: {  	[sflag:s13] =	ssyncset.done $0x0;
	(pc) =	sbr.rel @p0 .LBB2_2-.Ltmp0, $4  }
0x5e: {  	s24 =	sadd.s32 $0x2800, s25;
	[sflag:s13] =	ssyncadd.s32 $0xFFFFFF80  }
0x5f: {  	[spmem:s2] =	stream.indirect.scatter.add.f32 [tilespmem:s16], [sflag:$0x1], $0x1, s24, s15, $0xb8;
	[tilespmem:$0x5800] =	vst v63  }
0x60: {  	_ =	swait.ge [sflag:s13], $0x80  }
0x61: {  	s24 =	smov.u32 s26;
	[sflag:s13] =	ssyncset.done $0x0  }
0x62: {  	s23 =	sshra.s32 s23, $0x2;
	[sflag:s13] =	ssyncadd.s32 $0xFFFFFF80  }
0x63: {  	[spmem:s1] =	stream.indirect.scatter.add.f32 [tilespmem:s16], [sflag:$0x1], $0x1, s23, s15, $0xb8;
	[tilespmem:$0x5800] =	vst v63  }
0x64: {  	_ =	swait.ge [sflag:s13], $0x80  }
0x65: {  	[sflag:s13] =	ssyncset.done $0x0  }
0x66: {  	s23 =	sadd.s32 $0x2800, s23;
	[sflag:s13] =	ssyncadd.s32 $0xFFFFFF80  }
0x67: {  	[spmem:s2] =	stream.indirect.scatter.add.f32 [tilespmem:s16], [sflag:$0x1], $0x1, s23, s15, $0xb8;
	[tilespmem:$0x5800] =	vst v63  }
0x68: {  	_ =	swait.ge [sflag:s13], $0x80  }
0x69: {  	[sflag:s13] =	ssyncset.done $0x0  }
0x6a: {  	[sflag:s13] =	ssyncadd.s32 $0xFFFFFF80  }
0x6b: {  	[bflag:$0x0] =	sbarrier.arrive $0xFFFF  }
0x6c: {  	[hbm:s9@s19], [sflag:s17] =	dma.strided [spmem:s18@s20], $0x50, s13, $0x10   }
0x6d: {  	s22 =	sadd.s32 $0x1, s22;
	_ =	swait.ge [sflag:s13], $0x50  }
0x6e: {  	p0 =	sne.s32 s22, s11;
	[sflag:s13] =	ssyncset.done $0x0  }
.Ltmp1:
0x6f: {  	[sflag:s13] =	ssyncadd.s32 $0xFFFFFFB0;
	(pc) =	sbr.rel @p0 .LBB2_1-.Ltmp1, $4  }
0x70: {  	[hbm:s10@s19], [sflag:s17] =	dma.strided [spmem:s21@s20], $0x50, s13, $0x10   }
0x71: {  	_ =	swait.ge [sflag:s13], $0x50  }
0x72: {  	[sflag:s13] =	ssyncset.done $0x0  }
0x73: {  	[sflag:s13] =	ssyncadd.s32 $0xFFFFFFB0  }
0x74: {  	_ =	sfence.sel $0x180000  }
0x75: {  	[bflag:$0x0] =	sbarrier.arrive $0xFFFF  }
0x76: {  	p0 =	sne.s32 s3, $0x0;
	_ =	strace $0x90000047  }
0x77: {  	s0 =	sadd.s32 @!p0 $0x100000, s0;
	[bflag:$0x2] =	sbarrier.arrive $0xFFFF  }
0x78: {  	[sflag:s0] =	ssyncadd.tile.s32 @!p0 $0x1;
	_ =	shalt  }
.Lfunc_end2:
_tile_overlayer_lowered:
.L_overlay_start_2:
0x79: {  	(tag) =	ssettag $0x2  }
0x7a: {  	s0 =	rddreg [dreg:$0x0];
	s2 =	stileid.u32  }
0x7b: {  	s1 =	rddreg [dreg:$0x1];
	p0 =	sne.s32 s2, $0x0  }
0x7c: {  	s3 =	rddreg [dreg:$0x2];
	[bflag:$0x3] =	sbarrier.arrive $0xFFFF;
	s2 =	simm.s32 @!p0 $0x1C01  }
0x7d: {  	[timem:s3], [sflag:s2] =	dma.local @!p0 [hbm:s0], s1  }
0x7e: {  	s0 =	simm.s32 @!p0 $0x1  }
0x7f: {  	_ =	swait.ge @!p0 [sflag:s0], s1  }
0x80: {  	s1 =	ssub.s32 @!p0 $0x0, s1;
	[sflag:s0] =	ssyncset.done @!p0 $0x0  }
0x81: {  	[sflag:s0] =	ssyncadd.s32 @!p0 s1  }
0x82: {  	[bflag:$0x3] =	sbarrier.arrive $0xFFFF  }
0x83: {  	_ =	shalt  }

// kernel: kernel.9.cloned.1.call-start
scs
__scs_entry_jumppad:
0x0: {  	(pc) =	sbr.rel $0x88, $3  }
0x1: {  	(tag) =	ssettag $0x0;
	lr =	simm.s32 $0x1  }
0x2: {  	[smem:$0x3F9D] =	sst lr;
	_ =	strace $0xD0000000  }
0x3: {  	_ = 	snop  }
0x4: {  	_ = 	snop  }
0x5: {  	_ = 	snop  }
0x6: {  	_ = 	snop  }
0x7: {  	_ = 	snop  }
__scs_overlays_trampoline_lowered:
0x8: {  	[smem:$0x3FAC] =	sst s0  }
0x9: {  	[smem:$0x3FAD] =	sst s1  }
0xa: {  	[smem:$0x3FAE] =	sst s2  }
0xb: {  	[smem:$0x3FAF] =	sst s3  }
0xc: {  	[smem:$0x3FB0] =	sst s4  }
0xd: {  	[smem:$0x3FB1] =	sst s5  }
0xe: {  	[smem:$0x3FB2] =	sst s6  }
0xf: {  	[smem:$0x3FB3] =	sst s7  }
0x10: {  	[smem:$0x3FB4] =	sst s8  }
0x11: {  	[smem:$0x3FB5] =	sst s9;
	s0 =	simm.s32 @!p0 $0x0  }
0x12: {  	s1 =	sld [smem:$0x3F9B];
	s0 =	simm.s32 @p0 $0x1  }
0x13: {  	[smem:$0x3FB6] =	sst s0;
	s0 =	simm.s32 @!p1 $0x0  }
0x14: {  	s2 =	sld [smem:$0x3F9A];
	s0 =	simm.s32 @p1 $0x1  }
0x15: {  	[smem:$0x3FB7] =	sst s0;
	s0 =	simm.s32 @!p2 $0x0  }
0x16: {  	s3 =	sld [smem:$0x3FDB];
	s0 =	simm.s32 @p2 $0x1  }
0x17: {  	s4 =	simm.s32 $0x1BF5;
	[smem:$0x3FB9] =	sst s0  }
0x18: {  	s0 =	sld [smem:$0x3F9C];
	_ =	swait.ge [sflag:s4], $0x0  }
0x19: {  	s7 =	sld [smem:$0x3F9D]  }
0x1a: {  	s8 =	sadd.s32 $0xFFFFE003, lr  }
0x1b: {  	s9 =	sadd.s32 $0xFFFFFEF7, lr;
	s5 =	simm.s32 $0xFFFFFFFF;
	p2 =	slt.u32 s8, $0xFFFFF086  }
0x1c: {  	p1 =	slt.u32 s9, $0xF7A;
	s5 =	simm.s32 @!p2 $0x0  }
0x1d: {  	s5 =	simm.s32 @p1 $0x1;
	p0 =	seq.s32 s7, s2  }
0x1e: {  	s7 =	smul.u32 @!p0 $0xF7A, s2;
	p2 =	seq.s32 @!p0 s5, $0x0  }
0x1f: {  	s9 =	smul.u32 $0xF7A, s1;
	s8 =	simm.s32 @!p0 $0x1BF5;
	p2 =	por !p2, p0  }
0x20: {  	[sflag:s8] =	ssyncset.s32 @!p0 $0xFFFFF086;
	s6 =	sadd.s32 @!p0 s3, s7;
	s7 =	simm.s32 @!p0 $0x108  }
0x21: {  	s3 =	sadd.s32 s3, s9;
	s6 =	sadd.s32 @!p0 $0x88, s6;
	s7 =	simm.s32 @p2 $0x1082  }
0x22: {  	[simem:s7], [sflag:s8] =	dma.local @!p0 [hbm:s6], $0xF7A  }
0x23: {  	s9 =	sor.u32 $0xD0000000, s2;
	s6 =	simm.s32 $0x108;
	_ =	swait.ge @!p0 [sflag:s8], $0x0  }
0x24: {  	s3 =	sadd.s32 $0x88, s3;
	s6 =	simm.s32 @!p1 $0x1082;
	[sflag:s4] =	ssyncset.s32 $0xFFFFF086  }
0x25: {  	[simem:s6], [sflag:s4] =	dma.local [hbm:s3], $0xF7A  }
0x26: {  	[smem:$0x3F9D] =	sst s1;
	(tag) =	ssettag s2;
	_ =	strace s9  }
0x27: {  	s1 =	sld [smem:$0x3FAD]  }
0x28: {  	s2 =	sld [smem:$0x3FAE]  }
0x29: {  	s4 =	sld [smem:$0x3FB0]  }
0x2a: {  	p0 =	seq.s32 s5, $0x0;
	s5 =	sld [smem:$0x3FB1]  }
0x2b: {  	s6 =	sld [smem:$0x3FB2]  }
0x2c: {  	s7 =	sld [smem:$0x3FB3]  }
0x2d: {  	s3 =	simm.s32 $0x108;
	s8 =	sld [smem:$0x3FB4]  }
0x2e: {  	s3 =	simm.s32 @!p0 $0x1082;
	s9 =	sld [smem:$0x3FB5]  }
0x2f: {  	lr =	sadd.s32 s0, s3;
	s0 =	sld [smem:$0x3FAC]  }
0x30: {  	s3 =	sld [smem:$0x3FAF]  }
0x31: {  	[smem:$0x3FB8] =	sst s10  }
0x32: {  	s10 =	sld [smem:$0x3FB6];
	_ =	sdelay $0x3  }
0x33: {  	p0 =	seq.s32 s10, $0x1;
	s10 =	sld [smem:$0x3FB8];
	_ =	sdelay $0x3  }
0x34: {  	[smem:$0x3FB8] =	sst s10  }
0x35: {  	s10 =	sld [smem:$0x3FB7];
	_ =	sdelay $0x3  }
0x36: {  	p1 =	seq.s32 s10, $0x1;
	s10 =	sld [smem:$0x3FB8];
	_ =	sdelay $0x3  }
0x37: {  	[smem:$0x3FB8] =	sst s10  }
0x38: {  	s10 =	sld [smem:$0x3FB9]  }
0x39: {  	_ = 	snop;
	(pc) =	sbr.ind lr, $3  }
0x3a: {  	_ = 	snop  }
0x3b: {  	_ = 	snop  }
0x3c: {  	p2 =	seq.s32 s10, $0x1;
	s10 =	sld [smem:$0x3FB8]  }
0x3d: {  	_ =	shalt  }
0x3e: {  	_ =	shalt  }
0x3f: {  	_ =	shalt  }
0x40: {  	_ =	shalt  }
0x41: {  	_ =	shalt  }
0x42: {  	_ =	shalt  }
0x43: {  	_ =	shalt  }
0x44: {  	_ =	shalt  }
0x45: {  	_ =	shalt  }
0x46: {  	_ =	shalt  }
0x47: {  	_ =	shalt  }
0x48: {  	_ =	shalt  }
0x49: {  	_ =	shalt  }
0x4a: {  	_ =	shalt  }
0x4b: {  	_ =	shalt  }
0x4c: {  	_ =	shalt  }
0x4d: {  	_ =	shalt  }
0x4e: {  	_ =	shalt  }
0x4f: {  	_ =	shalt  }
0x50: {  	_ =	shalt  }
0x51: {  	_ =	shalt  }
0x52: {  	_ =	shalt  }
0x53: {  	_ =	shalt  }
0x54: {  	_ =	shalt  }
0x55: {  	_ =	shalt  }
0x56: {  	_ =	shalt  }
0x57: {  	_ =	shalt  }
0x58: {  	_ =	shalt  }
0x59: {  	_ =	shalt  }
0x5a: {  	_ =	shalt  }
0x5b: {  	_ =	shalt  }
0x5c: {  	_ =	shalt  }
0x5d: {  	_ =	shalt  }
0x5e: {  	_ =	shalt  }
0x5f: {  	_ =	shalt  }
0x60: {  	_ =	shalt  }
0x61: {  	_ =	shalt  }
0x62: {  	_ =	shalt  }
0x63: {  	_ =	shalt  }
0x64: {  	_ =	shalt  }
0x65: {  	_ =	shalt  }
0x66: {  	_ =	shalt  }
0x67: {  	_ =	shalt  }
0x68: {  	_ =	shalt  }
0x69: {  	_ =	shalt  }
0x6a: {  	_ =	shalt  }
0x6b: {  	_ =	shalt  }
0x6c: {  	_ =	shalt  }
0x6d: {  	_ =	shalt  }
0x6e: {  	_ =	shalt  }
0x6f: {  	_ =	shalt  }
0x70: {  	_ =	shalt  }
0x71: {  	_ =	shalt  }
0x72: {  	_ =	shalt  }
0x73: {  	_ =	shalt  }
0x74: {  	_ =	shalt  }
0x75: {  	_ =	shalt  }
0x76: {  	_ =	shalt  }
0x77: {  	_ =	shalt  }
0x78: {  	_ =	shalt  }
0x79: {  	_ =	shalt  }
0x7a: {  	_ =	shalt  }
0x7b: {  	_ =	shalt  }
0x7c: {  	_ =	shalt  }
0x7d: {  	_ =	shalt  }
0x7e: {  	_ =	shalt  }
0x7f: {  	_ =	shalt  }
0x80: {  	_ =	shalt  }
0x81: {  	_ =	shalt  }
0x82: {  	_ =	shalt  }
0x83: {  	_ =	shalt  }
0x84: {  	_ =	shalt  }
0x85: {  	_ =	shalt  }
0x86: {  	_ =	shalt  }
0x87: {  	_ =	shalt  }
.Lfunc_end0:
.L_simem_size_0:
called_computation.1_lowered:
.L_overlay_start_0:
0x88: {  	s2 =	sld [smem:$0x3FD9]  }
0x89: {  	s3 =	sld [smem:$0x3FFE];
	_ =	sdelay $0x1  }
0x8a: {  	s1 =	srdreg.scid  }
0x8b: {  	s0 =	sand.u32 $0x1, s1  }
0x8c: {  	s17 =	sshll.u32 s0, $0xA;
	s2 =	sadd.s32 s3, s2  }
0x8d: {  	s2 =	sadd.s32 s2, s17  }
0x8e: {  	[smem:$0x3FC4] =	sst s2  }
0x8f: {  	_ = 	snop  }
0x90: {  	s2 =	sld [smem:$0x3FD0];
	(tm) =	ssettm $0x1  }
0x91: {  	s18 =	sld [smem:$0x3FFB];
	_ =	sdelay $0x3  }
0x92: {  	_ =	strace s18  }
0x93: {  	s3 =	sld [smem:$0x3FFC];
	_ =	sdelay $0x3  }
0x94: {  	_ =	strace s3  }
0x95: {  	s3 =	sld [smem:$0x3FFD];
	_ =	sdelay $0x3  }
0x96: {  	_ =	strace s3  }
0x97: {  	_ =	strace $0x8FFFFFFF  }
0x98: {  	s19 =	sld [smem:$0x3FDB];
	_ =	sdelay $0x1  }
0x99: {  	s4 =	simm.s32 $_scs_section_size  }
0x9a: {  	s5 =	simm.s32 $_size__tile_overlayer_lowered;
	s6 =	simm.s32 $_tile_overlayer_lowered  }
0x9b: {  	s22 =	simm.s32 $0x1BFF;
	s21 =	sshll.u32 s6, $0x1;
	s3 =	sadd.s32 s4, s19  }
0x9c: {  	s7 =	simm.s32 $0x0;
	s20 =	sshll.u32 s5, $0x1;
	s5 =	sadd.s32 s21, s3  }
0x9d: {  	[timem:s7], [sflag:s22] =	dma.local [hbm:s5], s20  }
0x9e: {  	_ =	swait.ge [sflag:s22], s20  }
0x9f: {  	s4 =	ssub.s32 $0x0, s20;
	[sflag:s22] =	ssyncset.done $0x0  }
0xa0: {  	[sflag:s22] =	ssyncadd.s32 s4;
	_ =	sdelay $0x1  }
0xa1: {  	s23 =	simm.s32 $0x1B8B  }
0xa2: {  	_ =	swait.ge [sflag:s23], $0x1  }
0xa3: {  	[sflag:s23] =	ssyncset.done $0x0  }
0xa4: {  	s25 =	simm.s32 $0x1B8E;
	s24 =	sld [smem:$0x3FFE];
	[sflag:s23] =	ssyncadd.s32 $0xFFFFFFFF  }
0xa5: {  	s26 =	simm.s32 $execute0_lowered;
	[smem:$0x3FD2] =	sst s25  }
0xa6: {  	s5 =	sshll.u32 s26, $0x1;
	_ =	strace $0x80000049;
	[dreg:$0x1] =	wrdreg $0xFFFFFFFF  }
0xa7: {  	s28 =	simm.s32 $_size_execute0_lowered;
	s3 =	sadd.s32 s3, s5;
	[dreg:$0x0] =	wrdreg $0x0  }
0xa8: {  	s5 =	sshll.u32 s28, $0x1;
	[dreg:$0x2] =	wrdreg s3  }
0xa9: {  	[dreg:$0x3] =	wrdreg s5  }
0xaa: {  	[dreg:$0x4] =	wrdreg $0xC0  }
0xab: {  	_ =	task [dreg:s7], $0x5FFFF  }
0xac: {  	[dreg:$0x1] =	wrdreg $0xFFFFFFFF  }
0xad: {  	[dreg:$0x0] =	wrdreg $0x60  }
0xae: {  	[dreg:$0x2] =	wrdreg s24  }
0xaf: {  	[dreg:$0x3] =	wrdreg s2  }
0xb0: {  	[dreg:$0x4] =	wrdreg $0xB0000  }
0xb1: {  	[dreg:$0x5] =	wrdreg $0x9  }
0xb2: {  	_ =	task.clear_ibuf [dreg:s7], $0x6FFFF;
	_ =	strace $0x90000049  }
0xb3: {  	s29 =	simm.s32 $0x9;
	_ =	strace $0x8000004B  }
0xb4: {  	_ =	swait.ge [sflag:s29], $0x1  }
0xb5: {  	[sflag:s29] =	ssyncadd.s32 $0xFFFFFFFF  }
0xb6: {  	_ =	strace $0x9000004B  }
0xb7: {  	_ =	sfence  }
0xb8: {  	s30 =	sld [smem:$0x0];
	_ =	sdelay $0x2  }
0xb9: {  	s31 =	sshll.u32 s1, $0xD;
	s1 =	sshrl.u32 s1, $0x2  }
0xba: {  	s3 =	sand.u32 $0x4000, s31;
	s1 =	sadd.s32 s1, s30  }
0xbb: {  	s0 =	sor.u32 s3, s0;
	s1 =	sshll.u32 s1, $0x11  }
0xbc: {  	s0 =	sor.u32 s1, s0  }
0xbd: {  	s0 =	sadd.s32 $0x8F2B, s0  }
0xbe: {  	[sflag:s0] =	ssyncadd.remote.s32 $0x1  }
0xbf: {  	_ =	sfence.sel $0xFFFF  }
0xc0: {  	[dreg:$0x0] =	wrdreg $0xFFFFFFFF;
	(pc) =	sbr.abs _section_cstart, $3  }
0xc1: {  	[dreg:$0x1] =	wrdreg $0xFFFFFFFF  }
0xc2: {  	_ =	task.clear_ibuf [dreg:s7], $0x2FFFF;
	_ =	strace $0x9FFFFFFF  }
0xc3: {  	(tm) =	ssettm $0x7FFFFFFF  }
tec
execute0_lowered:
.L_overlay_start_1:
0x0: {  	(tag) =	ssettag $0x1  }
0x1: {  	s0 =	rddreg [dreg:$0x0]  }
0x2: {  	s7 =	rddreg [dreg:$0x1]  }
0x3: {  	s1 =	rddreg [dreg:$0x2]  }
0x4: {  	s2 =	srdreg.scid;
	s3 =	simm.s32 $0x0;
	s29 =	stileid.u32  }
0x5: {  	s19 =	simm.s32 $0x5000;
	s20 =	simm.s32 $0x4;
	s21 =	simm.s32 $0x40  }
0x6: {  	s22 =	simm.s32 $0x7000;
	s23 =	simm.s32 $0x2800;
	s24 =	simm.s32 $0x3  }
0x7: {  	s26 =	simm.s32 $0x0;
	s5 =	sand.u32 $0x1, s2;
	s9 =	smul.u32 $0x14000, s29  }
0x8: {  	[smem:$0x7FF] =	sst s3;
	s10 =	smul.u32 $0x50000, s29;
	s4 =	sshll.u32 s5, $0x4  }
0x9: {  	s6 =	smul.u32 $0x140000, s5;
	_ =	strace $0x8000004A;
	s5 =	ssub.s32 $0x2, s5  }
0xa: {  	s4 =	sor.u32 s29, s4;
	s30 =	sshrl.u32 s5, $0x1;
	s10 =	sshrl.u32 s10, $0x2  }
0xb: {  	s31 =	sadd.s32 s9, s1;
	s8 =	smul.u32 $0x500, s4;
	s4 =	sadd.s32 $0x20200, s0  }
0xc: {  	s6 =	sadd.s32 s9, s6;
	s12 =	ssub.s32 s5, s30;
	s5 =	sadd.s32 s10, s1  }
0xd: {  	s25 =	sshrl.u32 s31, $0x3;
	s6 =	sshrl.u32 s6, $0x3;
	s9 =	smax.u32 s12, $0x1  }
.Ltmp0:
0xe: {  	s10 =	sadd.s32 $0x2000, s5;
	s12 =	sadd.s32 $0x6000, s5;
	(pc) =	sbr.rel .LBB2_1-.Ltmp0, $4  }
0xf: {  	s13 =	sadd.s32 $0x8000, s5;
	s14 =	sadd.s32 $0xA000, s5;
	s15 =	sadd.s32 $0xC000, s5  }
0x10: {  	s16 =	sadd.s32 $0xE000, s5;
	s17 =	sadd.s32 $0x10000, s5;
	s18 =	sadd.s32 $0x12000, s5  }
0x11: {  	s11 =	sadd.s32 s8, s0;
	s0 =	sadd.s32 s6, s0;
	s7 =	sadd.s32 s7, s8  }
0x12: {  	v0 =	vimm.f32 $0.0e+00;
	s6 =	sadd.s32 $0x16200, s11;
	s8 =	sadd.s32 $0x70200, s0;
	s11 =	sadd.s32 $0x4000, s5  }
.LBB2_9:
0x13: {  	_ =	swait.ge [sflag:s24], $0x2000  }
0x14: {  	s0 =	stileid.u32;
	s26 =	sadd.s32 $0x1, s26;
	[sflag:s24] =	ssyncset.done $0x0  }
0x15: {  	s0 =	sshll.u32 s0, $0x6;
	p0 =	sne.s32 s26, s9;
	[sflag:s24] =	ssyncadd.s32 $0xFFFFE000  }
.Ltmp1:
0x16: {  	s0 =	sor.u32 $0x1C04, s0;
	[bflag:$0x0] =	sbarrier.arrive $0xFFFF;
	(pc) =	sbr.rel @!p0 .LBB2_10-.Ltmp1, $4  }
0x17: {  	[hbm:s8], [sflag:s0] =	dma.local [spmem:s25], $0x2800  }
0x18: {  	_ =	swait.ge [sflag:s20], $0x2800  }
0x19: {  	[sflag:s20] =	ssyncset.done $0x0  }
0x1a: {  	[sflag:s20] =	ssyncadd.s32 $0xFFFFD800  }
.LBB2_1:
0x1b: {  	s0 =	sand.u32 $0x7E00, s3  }
0x1c: {  	s29 =	sand.u32 $0x70, s3;
	s0 =	sshrl.u32 s0, $0x2  }
0x1d: {  	s28 =	simm.s32 $0x40;
	s0 =	sor.u32 s29, s0;
	s29 =	simm.s32 $0x0  }
.LBB2_2:
0x1e: {  	p0 =	sne.s32 s28, $0x7FC0  }
0x1f: {  	[tilespmem:s0+$0x5000] =	vst v0;
	s29 =	sadd.s32 $0x10, s29;
	s0 =	smov.u32 s28;
	s28 =	sadd.s32 $0x40, s28  }
.Ltmp2:
0x20: {  	(pc) =	sbr.rel @p0 .LBB2_2-.Ltmp2, $4  }
0x21: {  	_ = 	snop  }
0x22: {  	s0 =	sand.u32 $0x7E00, s0  }
0x23: {  	s30 =	sand.u32 $0x70, s29;
	s0 =	sshrl.u32 s0, $0x2  }
0x24: {  	s0 =	sor.u32 s30, s0  }
0x25: {  	[tilespmem:s0+$0x5000] =	vst v0  }
0x26: {  	[spmem:s5] =	stream.linear.scatter [tilespmem:s19], [sflag:$0x4], $0x2000, $0x38;
	[tilespmem:$0x1F000] =	vst v63  }
0x27: {  	_ =	swait.ge [sflag:s20], $0x2000  }
0x28: {  	[sflag:s20] =	ssyncset.done $0x0  }
0x29: {  	[sflag:s20] =	ssyncadd.s32 $0xFFFFE000  }
0x2a: {  	[spmem:s10] =	stream.linear.scatter [tilespmem:s19], [sflag:$0x4], $0x2000, $0x38;
	[tilespmem:$0x1F000] =	vst v63  }
0x2b: {  	_ =	swait.ge [sflag:s20], $0x2000  }
0x2c: {  	[sflag:s20] =	ssyncset.done $0x0  }
0x2d: {  	[sflag:s20] =	ssyncadd.s32 $0xFFFFE000  }
0x2e: {  	[spmem:s11] =	stream.linear.scatter [tilespmem:s19], [sflag:$0x4], $0x2000, $0x38;
	[tilespmem:$0x1F000] =	vst v63  }
0x2f: {  	_ =	swait.ge [sflag:s20], $0x2000  }
0x30: {  	[sflag:s20] =	ssyncset.done $0x0  }
0x31: {  	[sflag:s20] =	ssyncadd.s32 $0xFFFFE000  }
0x32: {  	[spmem:s12] =	stream.linear.scatter [tilespmem:s19], [sflag:$0x4], $0x2000, $0x38;
	[tilespmem:$0x1F000] =	vst v63  }
0x33: {  	_ =	swait.ge [sflag:s20], $0x2000  }
0x34: {  	[sflag:s20] =	ssyncset.done $0x0  }
0x35: {  	[sflag:s20] =	ssyncadd.s32 $0xFFFFE000  }
0x36: {  	[spmem:s13] =	stream.linear.scatter [tilespmem:s19], [sflag:$0x4], $0x2000, $0x38;
	[tilespmem:$0x1F000] =	vst v63  }
0x37: {  	_ =	swait.ge [sflag:s20], $0x2000  }
0x38: {  	[sflag:s20] =	ssyncset.done $0x0  }
0x39: {  	[sflag:s20] =	ssyncadd.s32 $0xFFFFE000  }
0x3a: {  	[spmem:s14] =	stream.linear.scatter [tilespmem:s19], [sflag:$0x4], $0x2000, $0x38;
	[tilespmem:$0x1F000] =	vst v63  }
0x3b: {  	_ =	swait.ge [sflag:s20], $0x2000  }
0x3c: {  	[sflag:s20] =	ssyncset.done $0x0  }
0x3d: {  	[sflag:s20] =	ssyncadd.s32 $0xFFFFE000  }
0x3e: {  	[spmem:s15] =	stream.linear.scatter [tilespmem:s19], [sflag:$0x4], $0x2000, $0x38;
	[tilespmem:$0x1F000] =	vst v63  }
0x3f: {  	_ =	swait.ge [sflag:s20], $0x2000  }
0x40: {  	[sflag:s20] =	ssyncset.done $0x0  }
0x41: {  	[sflag:s20] =	ssyncadd.s32 $0xFFFFE000  }
0x42: {  	[spmem:s16] =	stream.linear.scatter [tilespmem:s19], [sflag:$0x4], $0x2000, $0x38;
	[tilespmem:$0x1F000] =	vst v63  }
0x43: {  	_ =	swait.ge [sflag:s20], $0x2000  }
0x44: {  	[sflag:s20] =	ssyncset.done $0x0  }
0x45: {  	[sflag:s20] =	ssyncadd.s32 $0xFFFFE000  }
0x46: {  	[spmem:s17] =	stream.linear.scatter [tilespmem:s19], [sflag:$0x4], $0x2000, $0x38;
	[tilespmem:$0x1F000] =	vst v63  }
0x47: {  	_ =	swait.ge [sflag:s20], $0x2000  }
0x48: {  	[sflag:s20] =	ssyncset.done $0x0  }
0x49: {  	[sflag:s20] =	ssyncadd.s32 $0xFFFFE000  }
0x4a: {  	[spmem:s18] =	stream.linear.scatter [tilespmem:s19], [sflag:$0x4], $0x2000, $0x38;
	[tilespmem:$0x1F000] =	vst v63  }
0x4b: {  	_ =	swait.ge [sflag:s20], $0x2000  }
0x4c: {  	[sflag:s20] =	ssyncset.done $0x0  }
0x4d: {  	[sflag:s20] =	ssyncadd.s32 $0xFFFFE000  }
0x4e: {  	s28 =	simm.s32 $0x0;
	[bflag:$0x0] =	sbarrier.arrive $0xFFFF  }
0x4f: {  	[tilespmem:s28], [sflag:$0x4] =	stream.linear.gather [hbm4b:s6+s28], $0x2800, $0x38;
	[tilespmem:$0x1F000] =	vst v63  }
0x50: {  	_ =	swait.ge [sflag:s20], $0x2800  }
0x51: {  	[sflag:s20] =	ssyncset.done $0x0  }
0x52: {  	s29 =	simm.s32 $0x2800;
	[sflag:s20] =	ssyncadd.s32 $0xFFFFD800  }
0x53: {  	[tilespmem:s29], [sflag:$0x4] =	stream.linear.gather [hbm4b:s7+s28], $0x2800, $0x38;
	[tilespmem:$0x1F000] =	vst v63  }
0x54: {  	_ =	swait.ge [sflag:s20], $0x2800  }
.Ltmp3:
0x55: {  	[sflag:s20] =	ssyncset.done $0x0;
	(pc) =	sbr.rel .LBB2_4-.Ltmp3, $4  }
0x56: {  	[sflag:s20] =	ssyncadd.s32 $0xFFFFD800  }
0x57: {  	[tilespmem:s19], [sflag:$0x1] =	stream.indirect.gather [hbm4b:s4+s21], $0x80, s28, s21, $0xb8;
	[tilespmem:$0x1F000] =	vst v63  }
0x58: {  	s30 =	simm.s32 $0x80  }
0x59: {  	[tilespmem:s22], [sflag:$0x2] =	stream.indirect.gather [hbm4b:s4+s21], $0x80, s21, s21, $0xb8;
	[tilespmem:$0x1F000] =	vst v63  }
.LBB2_5:
0x5a: {  	[spmem:s1] =	stream.indirect.scatter.add.f32 [tilespmem:s0], [sflag:$0x3], $0x80, s23, s21, $0xb8;
	[tilespmem:$0x1F000] =	vst v63  }
.LBB2_7:
0x5b: {  	s0 =	sadd.s32 $0x2, s28  }
0x5c: {  	s2 =	smul.u32 $0xAB, s0;
	_ =	sdelay $0x1  }
0x5d: {  	s2 =	sshrl.u32 s2, $0x9  }
0x5e: {  	s2 =	sand.u32 $0x7F, s2  }
0x5f: {  	s2 =	smul.u32 $0x3, s2;
	_ =	sdelay $0x1  }
0x60: {  	s0 =	ssub.s32 s0, s2  }
0x61: {  	s0 =	sand.u32 $0xFF, s0  }
0x62: {  	s0 =	sshll.u32 s0, $0xD  }
0x63: {  	s0 =	sadd.s32 $0x5000, s0  }
0x64: {  	[tilespmem:s0], [sflag:s31] =	stream.indirect.gather [hbm4b:s4+s21], $0x80, s30, s21, $0xb8;
	[tilespmem:$0x1F000] =	vst v63  }
.LBB2_8:
0x65: {  	s28 =	sadd.s32 $0x1, s28  }
0x66: {  	p0 =	sne.s32 s28, $0xA0  }
.Ltmp4:
0x67: {  	_ = 	snop;
	(pc) =	sbr.rel @!p0 .LBB2_9-.Ltmp4, $2  }
0x68: {  	_ =	sdelay $0x2  }
0x69: {  	s29 =	sadd.s32 $0x40, s29;
	s30 =	sadd.s32 $0x40, s30  }
.LBB2_4:
0x6a: {  	s0 =	smul.u32 $0xAB, s28;
	_ =	sdelay $0x1  }
0x6b: {  	s0 =	sshrl.u32 s0, $0x9  }
0x6c: {  	s0 =	sand.u32 $0x7F, s0  }
0x6d: {  	p0 =	sne.s32 s28, $0x0;
	s0 =	smul.u32 $0x3, s0  }
.Ltmp5:
0x6e: {  	s31 =	sand.u32 $0x1, s28;
	(pc) =	sbr.rel @!p0 .LBB2_5-.Ltmp5, $4  }
0x6f: {  	s31 =	sadd.s32 $0x1, s31;
	s0 =	ssub.s32 s28, s0  }
0x70: {  	_ =	swait.ge [sflag:s31], $0x2000;
	s0 =	sand.u32 $0xFF, s0  }
0x71: {  	[sflag:s31] =	ssyncset.done $0x0;
	s0 =	sshll.u32 s0, $0xD  }
0x72: {  	[sflag:s31] =	ssyncadd.s32 $0xFFFFE000;
	s0 =	sadd.s32 $0x5000, s0  }
0x73: {  	p0 =	sgt.u32 s28, $0x9D  }
.Ltmp6:
0x74: {  	_ = 	snop;
	(pc) =	sbr.rel @p0 .LBB2_8-.Ltmp6, $4  }
.Ltmp7:
0x75: {  	_ =	swait.ge [sflag:s24], $0x2000;
	(pc) =	sbr.rel @!p0 .LBB2_7-.Ltmp7, $4  }
0x76: {  	[sflag:s24] =	ssyncset.done $0x0  }
0x77: {  	[sflag:s24] =	ssyncadd.s32 $0xFFFFE000  }
0x78: {  	[spmem:s1] =	stream.indirect.scatter.add.f32 [tilespmem:s0], [sflag:$0x3], $0x80, s29, s21, $0xb8;
	[tilespmem:$0x1F000] =	vst v63  }
0x79: {  	_ = 	snop  }
.LBB2_10:
0x7a: {  	_ =	sfence.sel $0x180000  }
0x7b: {  	[bflag:$0x0] =	sbarrier.arrive $0xFFFF  }
0x7c: {  	_ =	strace $0x9000004A  }
0x7d: {  	s0 =	stileid.u32;
	[bflag:$0x2] =	sbarrier.arrive $0xFFFF  }
0x7e: {  	p0 =	sne.s32 s0, $0x0;
	s0 =	rddreg [dreg:$0x3]  }
0x7f: {  	s0 =	sadd.s32 @!p0 $0x100000, s0  }
0x80: {  	[sflag:s0] =	ssyncadd.tile.s32 @!p0 $0x1;
	_ =	shalt  }
.Lfunc_end2:
_tile_overlayer_lowered:
.L_overlay_start_2:
0x81: {  	(tag) =	ssettag $0x2  }
0x82: {  	s0 =	rddreg [dreg:$0x0];
	s2 =	stileid.u32  }
0x83: {  	s1 =	rddreg [dreg:$0x1];
	p0 =	sne.s32 s2, $0x0  }
0x84: {  	s3 =	rddreg [dreg:$0x2];
	[bflag:$0x3] =	sbarrier.arrive $0xFFFF;
	s2 =	simm.s32 @!p0 $0x1C04  }
0x85: {  	[timem:s3], [sflag:s2] =	dma.local @!p0 [hbm:s0], s1  }
0x86: {  	s0 =	simm.s32 @!p0 $0x4  }
0x87: {  	_ =	swait.ge @!p0 [sflag:s0], s1  }
0x88: {  	s1 =	ssub.s32 @!p0 $0x0, s1;
	[sflag:s0] =	ssyncset.done @!p0 $0x0  }
0x89: {  	[sflag:s0] =	ssyncadd.s32 @!p0 s1  }
0x8a: {  	[bflag:$0x3] =	sbarrier.arrive $0xFFFF  }
0x8b: {  	_ =	shalt  }

</sc_bundles>
